<compile_context>
chip_gen: v7x
topology: tpu7x:2x2x1
jax: 0.10.2.dev20260603
libtpu: 0.0.44.dev20260713+nightly
codegen_flags: <defaults>
</compile_context>

<pallas_src>
import functools

import jax
import jax.numpy as jnp
from jax import lax
from jax.experimental import pallas as pl
from jax.experimental.pallas import tpu as pltpu
from jax.experimental.pallas import tpu_sc as plsc


def _fused_table_body(emb_ref, w_ref, b_ref, out_ref):
    t = (
        jnp.dot(emb_ref[...], w_ref[...], preferred_element_type=jnp.float32)
        + b_ref[...]
    )
    out_ref[...] = jnp.broadcast_to(t, out_ref.shape)


def _make_fused_table(vocab, d_out, copies):
    return pl.pallas_call(
        _fused_table_body,
        out_shape=jax.ShapeDtypeStruct((copies, vocab, d_out), jnp.float32),
    )


def _make_gather(n_tokens, d_out, chunk):
    info = plsc.get_sparse_core_info()
    nw = info.num_cores * info.num_subcores
    per_w = n_tokens // nw
    n_chunks = per_w // chunk
    D = 4
    assert n_tokens % nw == 0 and per_w % chunk == 0
    assert chunk <= 128 and (chunk * nw) % 8 == 0
    assert n_chunks >= 2 * D and n_chunks % D == 0

    mesh = plsc.VectorSubcoreMesh(core_axis_name="c", subcore_axis_name="s")

    @functools.partial(
        pl.kernel,
        mesh=mesh,
        out_type=jax.ShapeDtypeStruct((n_tokens, d_out), jnp.float32),
        scratch_types=[
            pltpu.VMEM((D, chunk), jnp.int32),
            pltpu.VMEM((D, chunk, d_out), jnp.float32),
        ] + [pltpu.SemaphoreType.DMA] * (2 * D),
    )
    def gather(table_hbm, idx_hbm, out_hbm, idx_v, rows_v,
               g0, g1, g2, g3, o0, o1, o2, o3):
        wid = lax.axis_index("s") * info.num_cores + lax.axis_index("c")
        base = wid * per_w
        gsem = [g0, g1, g2, g3]
        osem = [o0, o1, o2, o3]

        def idx_load(j, b):
            pltpu.sync_copy(idx_hbm.at[pl.ds(base + j * chunk, chunk)],
                            idx_v.at[b])

        def gather_copy(b):
            return pltpu.make_async_copy(table_hbm.at[idx_v.at[b]],
                                         rows_v.at[b], gsem[b])

        def out_copy(j, b):
            return pltpu.make_async_copy(
                rows_v.at[b], out_hbm.at[pl.ds(base + j * chunk, chunk)],
                osem[b])

        def step(j, b, bg, wait_out, start_gather):
            if wait_out:
                out_copy(j - 2, bg).wait()
            if start_gather:
                idx_load(j + 2, bg)
                gather_copy(bg).start()
            gather_copy(b).wait()
            out_copy(j, b).start()

        for b in range(2):
            idx_load(b, b)
            gather_copy(b).start()

        for j in range(2):
            step(j, j, j + 2, False, True)

        def outer(g, carry):
            for u in range(D):
                step(D * g + 2 + u, (2 + u) % D, u, True, True)
            return carry

        lax.fori_loop(0, (n_chunks - D) // D, outer, 0)

        for j in range(n_chunks - 2, n_chunks):
            step(j, j % D, (j - 2) % D, True, False)
        for j in range(n_chunks - 2, n_chunks):
            out_copy(j, j % D).wait()

    return gather


def kernel(input_ids, emb_table, W, b):
    batch, seqlen = input_ids.shape
    vocab, d_in = emb_table.shape
    d_out = W.shape[1]
    n_tokens = batch * seqlen

    info = plsc.get_sparse_core_info()
    nw = info.num_cores * info.num_subcores
    per_w = n_tokens // nw

    fused = _make_fused_table(vocab, d_out, nw)(
        emb_table, W, b.reshape(1, d_out)
    )
    ids = input_ids.astype(jnp.int32).T.reshape(n_tokens)
    ids = ids + (jnp.arange(n_tokens, dtype=jnp.int32) // per_w) * vocab
    out = _make_gather(n_tokens, d_out, 64)(
        fused.reshape(nw * vocab, d_out), ids
    )
    return out.reshape(seqlen, batch, d_out).transpose(1, 0, 2)

# --- scband reference (transcript-rebuilt; emitter-appended) ---
"""Pipeline reference for scband-fake-hfmodel-59081570125072 (READ-ONLY COPY).

The authoritative reference and input builder live on the scoring server;
editing this copy changes nothing except your own understanding.
"""

import jax, jax.numpy as jnp
import numpy as np


def setup_inputs(seed: int = 0) -> dict:
    key = jax.random.key(seed)
    k1, k2, k3, k4 = jax.random.split(key, 4)
    input_ids = jax.random.randint(k1, (4096, 50), 0, 256, dtype=jnp.int64)
    # learned params: Embedding(256, 16) and Linear(16, 256)
    emb_table = jax.random.normal(k2, (256, 16), dtype=jnp.float32)
    W = jax.random.normal(k3, (16, 256), dtype=jnp.float32) * (1.0 / np.sqrt(16.0))
    b = jax.random.normal(k4, (256,), dtype=jnp.float32) * 0.01
    return {"input_ids": input_ids, "emb_table": emb_table, "W": W, "b": b}


def reference(input_ids, emb_table, W, b):
    # emb lookup (gather) followed by linear head
    h = jnp.take(emb_table, input_ids, axis=0)      # [B, L, 16]
    logits = jnp.dot(h, W) + b                        # [B, L, 256]
    return logits

if __name__ == "__main__":
    import jax
    _d = setup_inputs()
    print(jax.jit(kernel)(*tuple(_d.values())))

</pallas_src>

<mosaic_0001>
#map = affine_map<(d0, d1) -> (0, 0)>
#map1 = affine_map<(d0, d1) -> (0)>
module attributes {stable_mosaic.version = 14 : i64} {
  func.func @gather(%arg0: i32, %arg1: i32, %arg2: memref<8192x256xf32, #tpu.memory_space<hbm>>, %arg3: memref<204800xi32, #tpu.memory_space<hbm>>, %arg4: memref<204800x256xf32, #tpu.memory_space<hbm>>, %arg5: memref<4x64xi32, #tpu.memory_space<vmem>>, %arg6: memref<4x64x256xf32, #tpu.memory_space<vmem>>, %arg7: memref<!tpu.dma_semaphore, #tpu.memory_space<semaphore_mem>>, %arg8: memref<!tpu.dma_semaphore, #tpu.memory_space<semaphore_mem>>, %arg9: memref<!tpu.dma_semaphore, #tpu.memory_space<semaphore_mem>>, %arg10: memref<!tpu.dma_semaphore, #tpu.memory_space<semaphore_mem>>, %arg11: memref<!tpu.dma_semaphore, #tpu.memory_space<semaphore_mem>>, %arg12: memref<!tpu.dma_semaphore, #tpu.memory_space<semaphore_mem>>, %arg13: memref<!tpu.dma_semaphore, #tpu.memory_space<semaphore_mem>>, %arg14: memref<!tpu.dma_semaphore, #tpu.memory_space<semaphore_mem>>) attributes {dimension_semantics = [#tpu.dimension_semantics<core_parallel>, #tpu.dimension_semantics<subcore_parallel>], iteration_bounds = array<i64: 2, 16>, scalar_prefetch = 0 : i64, scratch_operands = 10 : i64, tpu.core_type = #tpu.core_type<sc_vector_subcore>, window_params = [{transform_indices = #map}, {transform_indices = #map1}, {transform_indices = #map}]} {
    %mul3A = arith.constant 2 : i32
    %mul3A_0 = arith.muli %arg1, %mul3A : i32
    %add3A = arith.addi %mul3A_0, %arg0 : i32
    %mul3A_1 = arith.constant 6400 : i32
    %mul3A_2 = arith.muli %add3A, %mul3A_1 : i32
    %add3A_3 = arith.constant 0 : i32
    %add3A_4 = arith.addi %mul3A_2, %add3A_3 : i32
    %run_scoped3A = arith.constant 0 : i32
    "tpu.region"() ({
      %run_scoped3A_233 = tpu.sem_alloc : memref<!tpu.dma_semaphore, #tpu.memory_space<semaphore_mem>>
      %dma_start3A_234 = arith.constant 0 : i32
      %dma_start3A_235 = tpu.memref_slice %arg5[%run_scoped3A, %dma_start3A_234] : memref<4x64xi32, #tpu.memory_space<vmem>> -> memref<1x64xi32, #tpu.memory_space<vmem>>
      %dma_start3A_236 = tpu.memref_squeeze %dma_start3A_235 : memref<1x64xi32, #tpu.memory_space<vmem>> -> memref<64xi32, #tpu.memory_space<vmem>>
      %dma_start3A_237 = tpu.memref_slice %arg3[%add3A_4] : memref<204800xi32, #tpu.memory_space<hbm>> -> memref<64xi32, #tpu.memory_space<hbm>>
      %dma_start3A_238 = arith.constant 0 : i32
      %dma_start3A_239 = tpu.memref_slice %arg5[%run_scoped3A, %dma_start3A_238] : memref<4x64xi32, #tpu.memory_space<vmem>> -> memref<1x64xi32, #tpu.memory_space<vmem>>
      %dma_start3A_240 = tpu.memref_squeeze %dma_start3A_239 : memref<1x64xi32, #tpu.memory_space<vmem>> -> memref<64xi32, #tpu.memory_space<vmem>>
      %dma_start3A_241 = tpu.memref_slice %arg3[%add3A_4] : memref<204800xi32, #tpu.memory_space<hbm>> -> memref<64xi32, #tpu.memory_space<hbm>>
      tpu.enqueue_dma source(%dma_start3A_241 : memref<64xi32, #tpu.memory_space<hbm>>) target(%dma_start3A_240 : memref<64xi32, #tpu.memory_space<vmem>>) target_semaphore(%run_scoped3A_233 : memref<!tpu.dma_semaphore, #tpu.memory_space<semaphore_mem>>)
      %dma_wait3A_242 = arith.constant 0 : i32
      %dma_wait3A_243 = tpu.memref_slice %arg5[%run_scoped3A, %dma_wait3A_242] : memref<4x64xi32, #tpu.memory_space<vmem>> -> memref<1x64xi32, #tpu.memory_space<vmem>>
      %dma_wait3A_244 = tpu.memref_squeeze %dma_wait3A_243 : memref<1x64xi32, #tpu.memory_space<vmem>> -> memref<64xi32, #tpu.memory_space<vmem>>
      %dma_wait3A_245 = tpu.memref_slice %arg3[%add3A_4] : memref<204800xi32, #tpu.memory_space<hbm>> -> memref<64xi32, #tpu.memory_space<hbm>>
      %dma_wait3A_246 = arith.constant 0 : i32
      %dma_wait3A_247 = tpu.memref_slice %arg5[%run_scoped3A, %dma_wait3A_246] : memref<4x64xi32, #tpu.memory_space<vmem>> -> memref<1x64xi32, #tpu.memory_space<vmem>>
      %dma_wait3A_248 = tpu.memref_squeeze %dma_wait3A_247 : memref<1x64xi32, #tpu.memory_space<vmem>> -> memref<64xi32, #tpu.memory_space<vmem>>
      %dma_wait3A_249 = tpu.memref_slice %arg3[%add3A_4] : memref<204800xi32, #tpu.memory_space<hbm>> -> memref<64xi32, #tpu.memory_space<hbm>>
      tpu.wait_dma2 semaphore(%run_scoped3A_233 : memref<!tpu.dma_semaphore, #tpu.memory_space<semaphore_mem>>) src(%dma_wait3A_249 : memref<64xi32, #tpu.memory_space<hbm>>) dst(%dma_wait3A_248 : memref<64xi32, #tpu.memory_space<vmem>>)
      tpu.yield
    }) : () -> ()
    %dma_start3A = arith.constant 0 : i32
    %dma_start3A_5 = arith.constant 0 : i32
    %dma_start3A_6 = arith.constant 0 : i32
    %dma_start3A_7 = arith.constant 0 : i32
    %dma_start3A_8 = tpu.memref_slice %arg6[%dma_start3A_5, %dma_start3A_6, %dma_start3A_7] : memref<4x64x256xf32, #tpu.memory_space<vmem>> -> memref<1x64x256xf32, #tpu.memory_space<vmem>>
    %dma_start3A_9 = tpu.memref_squeeze %dma_start3A_8 : memref<1x64x256xf32, #tpu.memory_space<vmem>> -> memref<64x256xf32, #tpu.memory_space<vmem>>
    %dma_start3A_10 = arith.constant 0 : i32
    %dma_start3A_11 = tpu.memref_slice %arg5[%dma_start3A, %dma_start3A_10] : memref<4x64xi32, #tpu.memory_space<vmem>> -> memref<1x64xi32, #tpu.memory_space<vmem>>
    %dma_start3A_12 = tpu.memref_squeeze %dma_start3A_11 : memref<1x64xi32, #tpu.memory_space<vmem>> -> memref<64xi32, #tpu.memory_space<vmem>>
    %dma_start3A_13 = arith.constant 0 : i32
    %dma_start3A_14 = arith.constant 0 : i32
    %dma_start3A_15 = tpu.memref_slice %arg2[%dma_start3A_13, %dma_start3A_14] : memref<8192x256xf32, #tpu.memory_space<hbm>> -> memref<8192x256xf32, #tpu.memory_space<hbm>>
    tpu.enqueue_indirect_dma source(%dma_start3A_15 : memref<8192x256xf32, #tpu.memory_space<hbm>>) target(%dma_start3A_9 : memref<64x256xf32, #tpu.memory_space<vmem>>) offsets(%dma_start3A_12 : memref<64xi32, #tpu.memory_space<vmem>>) semaphore(%arg7 : memref<!tpu.dma_semaphore, #tpu.memory_space<semaphore_mem>>)
    %add3A_16 = arith.constant 64 : i32
    %add3A_17 = arith.addi %mul3A_2, %add3A_16 : i32
    %run_scoped3A_18 = arith.constant 1 : i32
    "tpu.region"() ({
      %run_scoped3A_233 = tpu.sem_alloc : memref<!tpu.dma_semaphore, #tpu.memory_space<semaphore_mem>>
      %dma_start3A_234 = arith.constant 0 : i32
      %dma_start3A_235 = tpu.memref_slice %arg5[%run_scoped3A_18, %dma_start3A_234] : memref<4x64xi32, #tpu.memory_space<vmem>> -> memref<1x64xi32, #tpu.memory_space<vmem>>
      %dma_start3A_236 = tpu.memref_squeeze %dma_start3A_235 : memref<1x64xi32, #tpu.memory_space<vmem>> -> memref<64xi32, #tpu.memory_space<vmem>>
      %dma_start3A_237 = tpu.memref_slice %arg3[%add3A_17] : memref<204800xi32, #tpu.memory_space<hbm>> -> memref<64xi32, #tpu.memory_space<hbm>>
      %dma_start3A_238 = arith.constant 0 : i32
      %dma_start3A_239 = tpu.memref_slice %arg5[%run_scoped3A_18, %dma_start3A_238] : memref<4x64xi32, #tpu.memory_space<vmem>> -> memref<1x64xi32, #tpu.memory_space<vmem>>
      %dma_start3A_240 = tpu.memref_squeeze %dma_start3A_239 : memref<1x64xi32, #tpu.memory_space<vmem>> -> memref<64xi32, #tpu.memory_space<vmem>>
      %dma_start3A_241 = tpu.memref_slice %arg3[%add3A_17] : memref<204800xi32, #tpu.memory_space<hbm>> -> memref<64xi32, #tpu.memory_space<hbm>>
      tpu.enqueue_dma source(%dma_start3A_241 : memref<64xi32, #tpu.memory_space<hbm>>) target(%dma_start3A_240 : memref<64xi32, #tpu.memory_space<vmem>>) target_semaphore(%run_scoped3A_233 : memref<!tpu.dma_semaphore, #tpu.memory_space<semaphore_mem>>)
      %dma_wait3A_242 = arith.constant 0 : i32
      %dma_wait3A_243 = tpu.memref_slice %arg5[%run_scoped3A_18, %dma_wait3A_242] : memref<4x64xi32, #tpu.memory_space<vmem>> -> memref<1x64xi32, #tpu.memory_space<vmem>>
      %dma_wait3A_244 = tpu.memref_squeeze %dma_wait3A_243 : memref<1x64xi32, #tpu.memory_space<vmem>> -> memref<64xi32, #tpu.memory_space<vmem>>
      %dma_wait3A_245 = tpu.memref_slice %arg3[%add3A_17] : memref<204800xi32, #tpu.memory_space<hbm>> -> memref<64xi32, #tpu.memory_space<hbm>>
      %dma_wait3A_246 = arith.constant 0 : i32
      %dma_wait3A_247 = tpu.memref_slice %arg5[%run_scoped3A_18, %dma_wait3A_246] : memref<4x64xi32, #tpu.memory_space<vmem>> -> memref<1x64xi32, #tpu.memory_space<vmem>>
      %dma_wait3A_248 = tpu.memref_squeeze %dma_wait3A_247 : memref<1x64xi32, #tpu.memory_space<vmem>> -> memref<64xi32, #tpu.memory_space<vmem>>
      %dma_wait3A_249 = tpu.memref_slice %arg3[%add3A_17] : memref<204800xi32, #tpu.memory_space<hbm>> -> memref<64xi32, #tpu.memory_space<hbm>>
      tpu.wait_dma2 semaphore(%run_scoped3A_233 : memref<!tpu.dma_semaphore, #tpu.memory_space<semaphore_mem>>) src(%dma_wait3A_249 : memref<64xi32, #tpu.memory_space<hbm>>) dst(%dma_wait3A_248 : memref<64xi32, #tpu.memory_space<vmem>>)
      tpu.yield
    }) : () -> ()
    %dma_start3A_19 = arith.constant 1 : i32
    %dma_start3A_20 = arith.constant 1 : i32
    %dma_start3A_21 = arith.constant 0 : i32
    %dma_start3A_22 = arith.constant 0 : i32
    %dma_start3A_23 = tpu.memref_slice %arg6[%dma_start3A_20, %dma_start3A_21, %dma_start3A_22] : memref<4x64x256xf32, #tpu.memory_space<vmem>> -> memref<1x64x256xf32, #tpu.memory_space<vmem>>
    %dma_start3A_24 = tpu.memref_squeeze %dma_start3A_23 : memref<1x64x256xf32, #tpu.memory_space<vmem>> -> memref<64x256xf32, #tpu.memory_space<vmem>>
    %dma_start3A_25 = arith.constant 0 : i32
    %dma_start3A_26 = tpu.memref_slice %arg5[%dma_start3A_19, %dma_start3A_25] : memref<4x64xi32, #tpu.memory_space<vmem>> -> memref<1x64xi32, #tpu.memory_space<vmem>>
    %dma_start3A_27 = tpu.memref_squeeze %dma_start3A_26 : memref<1x64xi32, #tpu.memory_space<vmem>> -> memref<64xi32, #tpu.memory_space<vmem>>
    %dma_start3A_28 = arith.constant 0 : i32
    %dma_start3A_29 = arith.constant 0 : i32
    %dma_start3A_30 = tpu.memref_slice %arg2[%dma_start3A_28, %dma_start3A_29] : memref<8192x256xf32, #tpu.memory_space<hbm>> -> memref<8192x256xf32, #tpu.memory_space<hbm>>
    tpu.enqueue_indirect_dma source(%dma_start3A_30 : memref<8192x256xf32, #tpu.memory_space<hbm>>) target(%dma_start3A_24 : memref<64x256xf32, #tpu.memory_space<vmem>>) offsets(%dma_start3A_27 : memref<64xi32, #tpu.memory_space<vmem>>) semaphore(%arg8 : memref<!tpu.dma_semaphore, #tpu.memory_space<semaphore_mem>>)
    %add3A_31 = arith.constant 128 : i32
    %add3A_32 = arith.addi %mul3A_2, %add3A_31 : i32
    %run_scoped3A_33 = arith.constant 2 : i32
    "tpu.region"() ({
      %run_scoped3A_233 = tpu.sem_alloc : memref<!tpu.dma_semaphore, #tpu.memory_space<semaphore_mem>>
      %dma_start3A_234 = arith.constant 0 : i32
      %dma_start3A_235 = tpu.memref_slice %arg5[%run_scoped3A_33, %dma_start3A_234] : memref<4x64xi32, #tpu.memory_space<vmem>> -> memref<1x64xi32, #tpu.memory_space<vmem>>
      %dma_start3A_236 = tpu.memref_squeeze %dma_start3A_235 : memref<1x64xi32, #tpu.memory_space<vmem>> -> memref<64xi32, #tpu.memory_space<vmem>>
      %dma_start3A_237 = tpu.memref_slice %arg3[%add3A_32] : memref<204800xi32, #tpu.memory_space<hbm>> -> memref<64xi32, #tpu.memory_space<hbm>>
      %dma_start3A_238 = arith.constant 0 : i32
      %dma_start3A_239 = tpu.memref_slice %arg5[%run_scoped3A_33, %dma_start3A_238] : memref<4x64xi32, #tpu.memory_space<vmem>> -> memref<1x64xi32, #tpu.memory_space<vmem>>
      %dma_start3A_240 = tpu.memref_squeeze %dma_start3A_239 : memref<1x64xi32, #tpu.memory_space<vmem>> -> memref<64xi32, #tpu.memory_space<vmem>>
      %dma_start3A_241 = tpu.memref_slice %arg3[%add3A_32] : memref<204800xi32, #tpu.memory_space<hbm>> -> memref<64xi32, #tpu.memory_space<hbm>>
      tpu.enqueue_dma source(%dma_start3A_241 : memref<64xi32, #tpu.memory_space<hbm>>) target(%dma_start3A_240 : memref<64xi32, #tpu.memory_space<vmem>>) target_semaphore(%run_scoped3A_233 : memref<!tpu.dma_semaphore, #tpu.memory_space<semaphore_mem>>)
      %dma_wait3A_242 = arith.constant 0 : i32
      %dma_wait3A_243 = tpu.memref_slice %arg5[%run_scoped3A_33, %dma_wait3A_242] : memref<4x64xi32, #tpu.memory_space<vmem>> -> memref<1x64xi32, #tpu.memory_space<vmem>>
      %dma_wait3A_244 = tpu.memref_squeeze %dma_wait3A_243 : memref<1x64xi32, #tpu.memory_space<vmem>> -> memref<64xi32, #tpu.memory_space<vmem>>
      %dma_wait3A_245 = tpu.memref_slice %arg3[%add3A_32] : memref<204800xi32, #tpu.memory_space<hbm>> -> memref<64xi32, #tpu.memory_space<hbm>>
      %dma_wait3A_246 = arith.constant 0 : i32
      %dma_wait3A_247 = tpu.memref_slice %arg5[%run_scoped3A_33, %dma_wait3A_246] : memref<4x64xi32, #tpu.memory_space<vmem>> -> memref<1x64xi32, #tpu.memory_space<vmem>>
      %dma_wait3A_248 = tpu.memref_squeeze %dma_wait3A_247 : memref<1x64xi32, #tpu.memory_space<vmem>> -> memref<64xi32, #tpu.memory_space<vmem>>
      %dma_wait3A_249 = tpu.memref_slice %arg3[%add3A_32] : memref<204800xi32, #tpu.memory_space<hbm>> -> memref<64xi32, #tpu.memory_space<hbm>>
      tpu.wait_dma2 semaphore(%run_scoped3A_233 : memref<!tpu.dma_semaphore, #tpu.memory_space<semaphore_mem>>) src(%dma_wait3A_249 : memref<64xi32, #tpu.memory_space<hbm>>) dst(%dma_wait3A_248 : memref<64xi32, #tpu.memory_space<vmem>>)
      tpu.yield
    }) : () -> ()
    %dma_start3A_34 = arith.constant 2 : i32
    %dma_start3A_35 = arith.constant 2 : i32
    %dma_start3A_36 = arith.constant 0 : i32
    %dma_start3A_37 = arith.constant 0 : i32
    %dma_start3A_38 = tpu.memref_slice %arg6[%dma_start3A_35, %dma_start3A_36, %dma_start3A_37] : memref<4x64x256xf32, #tpu.memory_space<vmem>> -> memref<1x64x256xf32, #tpu.memory_space<vmem>>
    %dma_start3A_39 = tpu.memref_squeeze %dma_start3A_38 : memref<1x64x256xf32, #tpu.memory_space<vmem>> -> memref<64x256xf32, #tpu.memory_space<vmem>>
    %dma_start3A_40 = arith.constant 0 : i32
    %dma_start3A_41 = tpu.memref_slice %arg5[%dma_start3A_34, %dma_start3A_40] : memref<4x64xi32, #tpu.memory_space<vmem>> -> memref<1x64xi32, #tpu.memory_space<vmem>>
    %dma_start3A_42 = tpu.memref_squeeze %dma_start3A_41 : memref<1x64xi32, #tpu.memory_space<vmem>> -> memref<64xi32, #tpu.memory_space<vmem>>
    %dma_start3A_43 = arith.constant 0 : i32
    %dma_start3A_44 = arith.constant 0 : i32
    %dma_start3A_45 = tpu.memref_slice %arg2[%dma_start3A_43, %dma_start3A_44] : memref<8192x256xf32, #tpu.memory_space<hbm>> -> memref<8192x256xf32, #tpu.memory_space<hbm>>
    tpu.enqueue_indirect_dma source(%dma_start3A_45 : memref<8192x256xf32, #tpu.memory_space<hbm>>) target(%dma_start3A_39 : memref<64x256xf32, #tpu.memory_space<vmem>>) offsets(%dma_start3A_42 : memref<64xi32, #tpu.memory_space<vmem>>) semaphore(%arg9 : memref<!tpu.dma_semaphore, #tpu.memory_space<semaphore_mem>>)
    %dma_wait3A = arith.constant 0 : i32
    %dma_wait3A_46 = arith.constant 0 : i32
    %dma_wait3A_47 = arith.constant 0 : i32
    %dma_wait3A_48 = arith.constant 0 : i32
    %dma_wait3A_49 = tpu.memref_slice %arg6[%dma_wait3A_46, %dma_wait3A_47, %dma_wait3A_48] : memref<4x64x256xf32, #tpu.memory_space<vmem>> -> memref<1x64x256xf32, #tpu.memory_space<vmem>>
    %dma_wait3A_50 = tpu.memref_squeeze %dma_wait3A_49 : memref<1x64x256xf32, #tpu.memory_space<vmem>> -> memref<64x256xf32, #tpu.memory_space<vmem>>
    %dma_wait3A_51 = arith.constant 0 : i32
    %dma_wait3A_52 = tpu.memref_slice %arg5[%dma_wait3A, %dma_wait3A_51] : memref<4x64xi32, #tpu.memory_space<vmem>> -> memref<1x64xi32, #tpu.memory_space<vmem>>
    %dma_wait3A_53 = tpu.memref_squeeze %dma_wait3A_52 : memref<1x64xi32, #tpu.memory_space<vmem>> -> memref<64xi32, #tpu.memory_space<vmem>>
    %dma_wait3A_54 = arith.constant 0 : i32
    %dma_wait3A_55 = arith.constant 0 : i32
    %dma_wait3A_56 = tpu.memref_slice %arg2[%dma_wait3A_54, %dma_wait3A_55] : memref<8192x256xf32, #tpu.memory_space<hbm>> -> memref<8192x256xf32, #tpu.memory_space<hbm>>
    tpu.wait_indirect_dma semaphore(%arg7 : memref<!tpu.dma_semaphore, #tpu.memory_space<semaphore_mem>>) src(%dma_wait3A_56 : memref<8192x256xf32, #tpu.memory_space<hbm>>) dst(%dma_wait3A_50 : memref<64x256xf32, #tpu.memory_space<vmem>>)
    %add3A_57 = arith.constant 0 : i32
    %add3A_58 = arith.addi %mul3A_2, %add3A_57 : i32
    %dma_start3A_59 = arith.constant 0 : i32
    %dma_start3A_60 = arith.constant 0 : i32
    %dma_start3A_61 = arith.constant 0 : i32
    %dma_start3A_62 = tpu.memref_slice %arg6[%dma_start3A_59, %dma_start3A_60, %dma_start3A_61] : memref<4x64x256xf32, #tpu.memory_space<vmem>> -> memref<1x64x256xf32, #tpu.memory_space<vmem>>
    %dma_start3A_63 = tpu.memref_squeeze %dma_start3A_62 : memref<1x64x256xf32, #tpu.memory_space<vmem>> -> memref<64x256xf32, #tpu.memory_space<vmem>>
    %dma_start3A_64 = arith.constant 0 : i32
    %dma_start3A_65 = tpu.memref_slice %arg4[%add3A_58, %dma_start3A_64] : memref<204800x256xf32, #tpu.memory_space<hbm>> -> memref<64x256xf32, #tpu.memory_space<hbm>>
    %dma_start3A_66 = arith.constant 0 : i32
    %dma_start3A_67 = tpu.memref_slice %arg4[%add3A_58, %dma_start3A_66] : memref<204800x256xf32, #tpu.memory_space<hbm>> -> memref<64x256xf32, #tpu.memory_space<hbm>>
    %dma_start3A_68 = arith.constant 0 : i32
    %dma_start3A_69 = arith.constant 0 : i32
    %dma_start3A_70 = tpu.memref_slice %arg6[%dma_start3A_59, %dma_start3A_68, %dma_start3A_69] : memref<4x64x256xf32, #tpu.memory_space<vmem>> -> memref<1x64x256xf32, #tpu.memory_space<vmem>>
    %dma_start3A_71 = tpu.memref_squeeze %dma_start3A_70 : memref<1x64x256xf32, #tpu.memory_space<vmem>> -> memref<64x256xf32, #tpu.memory_space<vmem>>
    tpu.enqueue_dma source(%dma_start3A_71 : memref<64x256xf32, #tpu.memory_space<vmem>>) target(%dma_start3A_67 : memref<64x256xf32, #tpu.memory_space<hbm>>) target_semaphore(%arg11 : memref<!tpu.dma_semaphore, #tpu.memory_space<semaphore_mem>>)
    %add3A_72 = arith.constant 192 : i32
    %add3A_73 = arith.addi %mul3A_2, %add3A_72 : i32
    %run_scoped3A_74 = arith.constant 3 : i32
    "tpu.region"() ({
      %run_scoped3A_233 = tpu.sem_alloc : memref<!tpu.dma_semaphore, #tpu.memory_space<semaphore_mem>>
      %dma_start3A_234 = arith.constant 0 : i32
      %dma_start3A_235 = tpu.memref_slice %arg5[%run_scoped3A_74, %dma_start3A_234] : memref<4x64xi32, #tpu.memory_space<vmem>> -> memref<1x64xi32, #tpu.memory_space<vmem>>
      %dma_start3A_236 = tpu.memref_squeeze %dma_start3A_235 : memref<1x64xi32, #tpu.memory_space<vmem>> -> memref<64xi32, #tpu.memory_space<vmem>>
      %dma_start3A_237 = tpu.memref_slice %arg3[%add3A_73] : memref<204800xi32, #tpu.memory_space<hbm>> -> memref<64xi32, #tpu.memory_space<hbm>>
      %dma_start3A_238 = arith.constant 0 : i32
      %dma_start3A_239 = tpu.memref_slice %arg5[%run_scoped3A_74, %dma_start3A_238] : memref<4x64xi32, #tpu.memory_space<vmem>> -> memref<1x64xi32, #tpu.memory_space<vmem>>
      %dma_start3A_240 = tpu.memref_squeeze %dma_start3A_239 : memref<1x64xi32, #tpu.memory_space<vmem>> -> memref<64xi32, #tpu.memory_space<vmem>>
      %dma_start3A_241 = tpu.memref_slice %arg3[%add3A_73] : memref<204800xi32, #tpu.memory_space<hbm>> -> memref<64xi32, #tpu.memory_space<hbm>>
      tpu.enqueue_dma source(%dma_start3A_241 : memref<64xi32, #tpu.memory_space<hbm>>) target(%dma_start3A_240 : memref<64xi32, #tpu.memory_space<vmem>>) target_semaphore(%run_scoped3A_233 : memref<!tpu.dma_semaphore, #tpu.memory_space<semaphore_mem>>)
      %dma_wait3A_242 = arith.constant 0 : i32
      %dma_wait3A_243 = tpu.memref_slice %arg5[%run_scoped3A_74, %dma_wait3A_242] : memref<4x64xi32, #tpu.memory_space<vmem>> -> memref<1x64xi32, #tpu.memory_space<vmem>>
      %dma_wait3A_244 = tpu.memref_squeeze %dma_wait3A_243 : memref<1x64xi32, #tpu.memory_space<vmem>> -> memref<64xi32, #tpu.memory_space<vmem>>
      %dma_wait3A_245 = tpu.memref_slice %arg3[%add3A_73] : memref<204800xi32, #tpu.memory_space<hbm>> -> memref<64xi32, #tpu.memory_space<hbm>>
      %dma_wait3A_246 = arith.constant 0 : i32
      %dma_wait3A_247 = tpu.memref_slice %arg5[%run_scoped3A_74, %dma_wait3A_246] : memref<4x64xi32, #tpu.memory_space<vmem>> -> memref<1x64xi32, #tpu.memory_space<vmem>>
      %dma_wait3A_248 = tpu.memref_squeeze %dma_wait3A_247 : memref<1x64xi32, #tpu.memory_space<vmem>> -> memref<64xi32, #tpu.memory_space<vmem>>
      %dma_wait3A_249 = tpu.memref_slice %arg3[%add3A_73] : memref<204800xi32, #tpu.memory_space<hbm>> -> memref<64xi32, #tpu.memory_space<hbm>>
      tpu.wait_dma2 semaphore(%run_scoped3A_233 : memref<!tpu.dma_semaphore, #tpu.memory_space<semaphore_mem>>) src(%dma_wait3A_249 : memref<64xi32, #tpu.memory_space<hbm>>) dst(%dma_wait3A_248 : memref<64xi32, #tpu.memory_space<vmem>>)
      tpu.yield
    }) : () -> ()
    %dma_start3A_75 = arith.constant 3 : i32
    %dma_start3A_76 = arith.constant 3 : i32
    %dma_start3A_77 = arith.constant 0 : i32
    %dma_start3A_78 = arith.constant 0 : i32
    %dma_start3A_79 = tpu.memref_slice %arg6[%dma_start3A_76, %dma_start3A_77, %dma_start3A_78] : memref<4x64x256xf32, #tpu.memory_space<vmem>> -> memref<1x64x256xf32, #tpu.memory_space<vmem>>
    %dma_start3A_80 = tpu.memref_squeeze %dma_start3A_79 : memref<1x64x256xf32, #tpu.memory_space<vmem>> -> memref<64x256xf32, #tpu.memory_space<vmem>>
    %dma_start3A_81 = arith.constant 0 : i32
    %dma_start3A_82 = tpu.memref_slice %arg5[%dma_start3A_75, %dma_start3A_81] : memref<4x64xi32, #tpu.memory_space<vmem>> -> memref<1x64xi32, #tpu.memory_space<vmem>>
    %dma_start3A_83 = tpu.memref_squeeze %dma_start3A_82 : memref<1x64xi32, #tpu.memory_space<vmem>> -> memref<64xi32, #tpu.memory_space<vmem>>
    %dma_start3A_84 = arith.constant 0 : i32
    %dma_start3A_85 = arith.constant 0 : i32
    %dma_start3A_86 = tpu.memref_slice %arg2[%dma_start3A_84, %dma_start3A_85] : memref<8192x256xf32, #tpu.memory_space<hbm>> -> memref<8192x256xf32, #tpu.memory_space<hbm>>
    tpu.enqueue_indirect_dma source(%dma_start3A_86 : memref<8192x256xf32, #tpu.memory_space<hbm>>) target(%dma_start3A_80 : memref<64x256xf32, #tpu.memory_space<vmem>>) offsets(%dma_start3A_83 : memref<64xi32, #tpu.memory_space<vmem>>) semaphore(%arg10 : memref<!tpu.dma_semaphore, #tpu.memory_space<semaphore_mem>>)
    %dma_wait3A_87 = arith.constant 1 : i32
    %dma_wait3A_88 = arith.constant 1 : i32
    %dma_wait3A_89 = arith.constant 0 : i32
    %dma_wait3A_90 = arith.constant 0 : i32
    %dma_wait3A_91 = tpu.memref_slice %arg6[%dma_wait3A_88, %dma_wait3A_89, %dma_wait3A_90] : memref<4x64x256xf32, #tpu.memory_space<vmem>> -> memref<1x64x256xf32, #tpu.memory_space<vmem>>
    %dma_wait3A_92 = tpu.memref_squeeze %dma_wait3A_91 : memref<1x64x256xf32, #tpu.memory_space<vmem>> -> memref<64x256xf32, #tpu.memory_space<vmem>>
    %dma_wait3A_93 = arith.constant 0 : i32
    %dma_wait3A_94 = tpu.memref_slice %arg5[%dma_wait3A_87, %dma_wait3A_93] : memref<4x64xi32, #tpu.memory_space<vmem>> -> memref<1x64xi32, #tpu.memory_space<vmem>>
    %dma_wait3A_95 = tpu.memref_squeeze %dma_wait3A_94 : memref<1x64xi32, #tpu.memory_space<vmem>> -> memref<64xi32, #tpu.memory_space<vmem>>
    %dma_wait3A_96 = arith.constant 0 : i32
    %dma_wait3A_97 = arith.constant 0 : i32
    %dma_wait3A_98 = tpu.memref_slice %arg2[%dma_wait3A_96, %dma_wait3A_97] : memref<8192x256xf32, #tpu.memory_space<hbm>> -> memref<8192x256xf32, #tpu.memory_space<hbm>>
    tpu.wait_indirect_dma semaphore(%arg8 : memref<!tpu.dma_semaphore, #tpu.memory_space<semaphore_mem>>) src(%dma_wait3A_98 : memref<8192x256xf32, #tpu.memory_space<hbm>>) dst(%dma_wait3A_92 : memref<64x256xf32, #tpu.memory_space<vmem>>)
    %add3A_99 = arith.constant 64 : i32
    %add3A_100 = arith.addi %mul3A_2, %add3A_99 : i32
    %dma_start3A_101 = arith.constant 1 : i32
    %dma_start3A_102 = arith.constant 0 : i32
    %dma_start3A_103 = arith.constant 0 : i32
    %dma_start3A_104 = tpu.memref_slice %arg6[%dma_start3A_101, %dma_start3A_102, %dma_start3A_103] : memref<4x64x256xf32, #tpu.memory_space<vmem>> -> memref<1x64x256xf32, #tpu.memory_space<vmem>>
    %dma_start3A_105 = tpu.memref_squeeze %dma_start3A_104 : memref<1x64x256xf32, #tpu.memory_space<vmem>> -> memref<64x256xf32, #tpu.memory_space<vmem>>
    %dma_start3A_106 = arith.constant 0 : i32
    %dma_start3A_107 = tpu.memref_slice %arg4[%add3A_100, %dma_start3A_106] : memref<204800x256xf32, #tpu.memory_space<hbm>> -> memref<64x256xf32, #tpu.memory_space<hbm>>
    %dma_start3A_108 = arith.constant 0 : i32
    %dma_start3A_109 = tpu.memref_slice %arg4[%add3A_100, %dma_start3A_108] : memref<204800x256xf32, #tpu.memory_space<hbm>> -> memref<64x256xf32, #tpu.memory_space<hbm>>
    %dma_start3A_110 = arith.constant 0 : i32
    %dma_start3A_111 = arith.constant 0 : i32
    %dma_start3A_112 = tpu.memref_slice %arg6[%dma_start3A_101, %dma_start3A_110, %dma_start3A_111] : memref<4x64x256xf32, #tpu.memory_space<vmem>> -> memref<1x64x256xf32, #tpu.memory_space<vmem>>
    %dma_start3A_113 = tpu.memref_squeeze %dma_start3A_112 : memref<1x64x256xf32, #tpu.memory_space<vmem>> -> memref<64x256xf32, #tpu.memory_space<vmem>>
    tpu.enqueue_dma source(%dma_start3A_113 : memref<64x256xf32, #tpu.memory_space<vmem>>) target(%dma_start3A_109 : memref<64x256xf32, #tpu.memory_space<hbm>>) target_semaphore(%arg12 : memref<!tpu.dma_semaphore, #tpu.memory_space<semaphore_mem>>)
    %scan3A = arith.constant 0 : i32
    %scan3A_114 = arith.constant 0 : i32
    %scan3A_115 = arith.constant 24 : i32
    %scan3A_116 = arith.addi %scan3A_114, %scan3A_115 : i32
    %scan3A_117 = arith.constant 1 : i32
    scf.for %scan3A_233 = %scan3A_114 to %scan3A_116 step %scan3A_117  : i32 {
      %mul3A_234 = arith.constant 4 : i32
      %mul3A_235 = arith.muli %mul3A_234, %scan3A_233 : i32
      %add3A_236 = arith.constant 2 : i32
      %add3A_237 = arith.addi %mul3A_235, %add3A_236 : i32
      %add3A_238 = arith.constant 0 : i32
      %add3A_239 = arith.addi %add3A_237, %add3A_238 : i32
      %sub3A = arith.constant 2 : i32
      %sub3A_240 = arith.subi %add3A_239, %sub3A : i32
      %mul3A_241 = arith.constant 64 : i32
      %mul3A_242 = arith.muli %sub3A_240, %mul3A_241 : i32
      %add3A_243 = arith.addi %mul3A_2, %mul3A_242 : i32
      %dma_wait3A_244 = arith.constant 0 : i32
      %dma_wait3A_245 = arith.constant 0 : i32
      %dma_wait3A_246 = arith.constant 0 : i32
      %dma_wait3A_247 = tpu.memref_slice %arg6[%dma_wait3A_244, %dma_wait3A_245, %dma_wait3A_246] : memref<4x64x256xf32, #tpu.memory_space<vmem>> -> memref<1x64x256xf32, #tpu.memory_space<vmem>>
      %dma_wait3A_248 = tpu.memref_squeeze %dma_wait3A_247 : memref<1x64x256xf32, #tpu.memory_space<vmem>> -> memref<64x256xf32, #tpu.memory_space<vmem>>
      %dma_wait3A_249 = arith.constant 0 : i32
      %dma_wait3A_250 = tpu.memref_slice %arg4[%add3A_243, %dma_wait3A_249] : memref<204800x256xf32, #tpu.memory_space<hbm>> -> memref<64x256xf32, #tpu.memory_space<hbm>>
      %dma_wait3A_251 = arith.constant 0 : i32
      %dma_wait3A_252 = tpu.memref_slice %arg4[%add3A_243, %dma_wait3A_251] : memref<204800x256xf32, #tpu.memory_space<hbm>> -> memref<64x256xf32, #tpu.memory_space<hbm>>
      %dma_wait3A_253 = arith.constant 0 : i32
      %dma_wait3A_254 = arith.constant 0 : i32
      %dma_wait3A_255 = tpu.memref_slice %arg6[%dma_wait3A_244, %dma_wait3A_253, %dma_wait3A_254] : memref<4x64x256xf32, #tpu.memory_space<vmem>> -> memref<1x64x256xf32, #tpu.memory_space<vmem>>
      %dma_wait3A_256 = tpu.memref_squeeze %dma_wait3A_255 : memref<1x64x256xf32, #tpu.memory_space<vmem>> -> memref<64x256xf32, #tpu.memory_space<vmem>>
      tpu.wait_dma2 semaphore(%arg11 : memref<!tpu.dma_semaphore, #tpu.memory_space<semaphore_mem>>) src(%dma_wait3A_256 : memref<64x256xf32, #tpu.memory_space<vmem>>) dst(%dma_wait3A_252 : memref<64x256xf32, #tpu.memory_space<hbm>>)
      %add3A_257 = arith.constant 2 : i32
      %add3A_258 = arith.addi %add3A_239, %add3A_257 : i32
      %mul3A_259 = arith.constant 64 : i32
      %mul3A_260 = arith.muli %add3A_258, %mul3A_259 : i32
      %add3A_261 = arith.addi %mul3A_2, %mul3A_260 : i32
      %run_scoped3A_262 = arith.constant 0 : i32
      "tpu.region"() ({
        %run_scoped3A_513 = tpu.sem_alloc : memref<!tpu.dma_semaphore, #tpu.memory_space<semaphore_mem>>
        %dma_start3A_514 = arith.constant 0 : i32
        %dma_start3A_515 = tpu.memref_slice %arg5[%run_scoped3A_262, %dma_start3A_514] : memref<4x64xi32, #tpu.memory_space<vmem>> -> memref<1x64xi32, #tpu.memory_space<vmem>>
        %dma_start3A_516 = tpu.memref_squeeze %dma_start3A_515 : memref<1x64xi32, #tpu.memory_space<vmem>> -> memref<64xi32, #tpu.memory_space<vmem>>
        %dma_start3A_517 = tpu.memref_slice %arg3[%add3A_261] : memref<204800xi32, #tpu.memory_space<hbm>> -> memref<64xi32, #tpu.memory_space<hbm>>
        %dma_start3A_518 = arith.constant 0 : i32
        %dma_start3A_519 = tpu.memref_slice %arg5[%run_scoped3A_262, %dma_start3A_518] : memref<4x64xi32, #tpu.memory_space<vmem>> -> memref<1x64xi32, #tpu.memory_space<vmem>>
        %dma_start3A_520 = tpu.memref_squeeze %dma_start3A_519 : memref<1x64xi32, #tpu.memory_space<vmem>> -> memref<64xi32, #tpu.memory_space<vmem>>
        %dma_start3A_521 = tpu.memref_slice %arg3[%add3A_261] : memref<204800xi32, #tpu.memory_space<hbm>> -> memref<64xi32, #tpu.memory_space<hbm>>
        tpu.enqueue_dma source(%dma_start3A_521 : memref<64xi32, #tpu.memory_space<hbm>>) target(%dma_start3A_520 : memref<64xi32, #tpu.memory_space<vmem>>) target_semaphore(%run_scoped3A_513 : memref<!tpu.dma_semaphore, #tpu.memory_space<semaphore_mem>>)
        %dma_wait3A_522 = arith.constant 0 : i32
        %dma_wait3A_523 = tpu.memref_slice %arg5[%run_scoped3A_262, %dma_wait3A_522] : memref<4x64xi32, #tpu.memory_space<vmem>> -> memref<1x64xi32, #tpu.memory_space<vmem>>
        %dma_wait3A_524 = tpu.memref_squeeze %dma_wait3A_523 : memref<1x64xi32, #tpu.memory_space<vmem>> -> memref<64xi32, #tpu.memory_space<vmem>>
        %dma_wait3A_525 = tpu.memref_slice %arg3[%add3A_261] : memref<204800xi32, #tpu.memory_space<hbm>> -> memref<64xi32, #tpu.memory_space<hbm>>
        %dma_wait3A_526 = arith.constant 0 : i32
        %dma_wait3A_527 = tpu.memref_slice %arg5[%run_scoped3A_262, %dma_wait3A_526] : memref<4x64xi32, #tpu.memory_space<vmem>> -> memref<1x64xi32, #tpu.memory_space<vmem>>
        %dma_wait3A_528 = tpu.memref_squeeze %dma_wait3A_527 : memref<1x64xi32, #tpu.memory_space<vmem>> -> memref<64xi32, #tpu.memory_space<vmem>>
        %dma_wait3A_529 = tpu.memref_slice %arg3[%add3A_261] : memref<204800xi32, #tpu.memory_space<hbm>> -> memref<64xi32, #tpu.memory_space<hbm>>
        tpu.wait_dma2 semaphore(%run_scoped3A_513 : memref<!tpu.dma_semaphore, #tpu.memory_space<semaphore_mem>>) src(%dma_wait3A_529 : memref<64xi32, #tpu.memory_space<hbm>>) dst(%dma_wait3A_528 : memref<64xi32, #tpu.memory_space<vmem>>)
        tpu.yield
      }) : () -> ()
      %dma_start3A_263 = arith.constant 0 : i32
      %dma_start3A_264 = arith.constant 0 : i32
      %dma_start3A_265 = arith.constant 0 : i32
      %dma_start3A_266 = arith.constant 0 : i32
      %dma_start3A_267 = tpu.memref_slice %arg6[%dma_start3A_264, %dma_start3A_265, %dma_start3A_266] : memref<4x64x256xf32, #tpu.memory_space<vmem>> -> memref<1x64x256xf32, #tpu.memory_space<vmem>>
      %dma_start3A_268 = tpu.memref_squeeze %dma_start3A_267 : memref<1x64x256xf32, #tpu.memory_space<vmem>> -> memref<64x256xf32, #tpu.memory_space<vmem>>
      %dma_start3A_269 = arith.constant 0 : i32
      %dma_start3A_270 = tpu.memref_slice %arg5[%dma_start3A_263, %dma_start3A_269] : memref<4x64xi32, #tpu.memory_space<vmem>> -> memref<1x64xi32, #tpu.memory_space<vmem>>
      %dma_start3A_271 = tpu.memref_squeeze %dma_start3A_270 : memref<1x64xi32, #tpu.memory_space<vmem>> -> memref<64xi32, #tpu.memory_space<vmem>>
      %dma_start3A_272 = arith.constant 0 : i32
      %dma_start3A_273 = arith.constant 0 : i32
      %dma_start3A_274 = tpu.memref_slice %arg2[%dma_start3A_272, %dma_start3A_273] : memref<8192x256xf32, #tpu.memory_space<hbm>> -> memref<8192x256xf32, #tpu.memory_space<hbm>>
      tpu.enqueue_indirect_dma source(%dma_start3A_274 : memref<8192x256xf32, #tpu.memory_space<hbm>>) target(%dma_start3A_268 : memref<64x256xf32, #tpu.memory_space<vmem>>) offsets(%dma_start3A_271 : memref<64xi32, #tpu.memory_space<vmem>>) semaphore(%arg7 : memref<!tpu.dma_semaphore, #tpu.memory_space<semaphore_mem>>)
      %dma_wait3A_275 = arith.constant 2 : i32
      %dma_wait3A_276 = arith.constant 2 : i32
      %dma_wait3A_277 = arith.constant 0 : i32
      %dma_wait3A_278 = arith.constant 0 : i32
      %dma_wait3A_279 = tpu.memref_slice %arg6[%dma_wait3A_276, %dma_wait3A_277, %dma_wait3A_278] : memref<4x64x256xf32, #tpu.memory_space<vmem>> -> memref<1x64x256xf32, #tpu.memory_space<vmem>>
      %dma_wait3A_280 = tpu.memref_squeeze %dma_wait3A_279 : memref<1x64x256xf32, #tpu.memory_space<vmem>> -> memref<64x256xf32, #tpu.memory_space<vmem>>
      %dma_wait3A_281 = arith.constant 0 : i32
      %dma_wait3A_282 = tpu.memref_slice %arg5[%dma_wait3A_275, %dma_wait3A_281] : memref<4x64xi32, #tpu.memory_space<vmem>> -> memref<1x64xi32, #tpu.memory_space<vmem>>
      %dma_wait3A_283 = tpu.memref_squeeze %dma_wait3A_282 : memref<1x64xi32, #tpu.memory_space<vmem>> -> memref<64xi32, #tpu.memory_space<vmem>>
      %dma_wait3A_284 = arith.constant 0 : i32
      %dma_wait3A_285 = arith.constant 0 : i32
      %dma_wait3A_286 = tpu.memref_slice %arg2[%dma_wait3A_284, %dma_wait3A_285] : memref<8192x256xf32, #tpu.memory_space<hbm>> -> memref<8192x256xf32, #tpu.memory_space<hbm>>
      tpu.wait_indirect_dma semaphore(%arg9 : memref<!tpu.dma_semaphore, #tpu.memory_space<semaphore_mem>>) src(%dma_wait3A_286 : memref<8192x256xf32, #tpu.memory_space<hbm>>) dst(%dma_wait3A_280 : memref<64x256xf32, #tpu.memory_space<vmem>>)
      %mul3A_287 = arith.constant 64 : i32
      %mul3A_288 = arith.muli %add3A_239, %mul3A_287 : i32
      %add3A_289 = arith.addi %mul3A_2, %mul3A_288 : i32
      %dma_start3A_290 = arith.constant 2 : i32
      %dma_start3A_291 = arith.constant 0 : i32
      %dma_start3A_292 = arith.constant 0 : i32
      %dma_start3A_293 = tpu.memref_slice %arg6[%dma_start3A_290, %dma_start3A_291, %dma_start3A_292] : memref<4x64x256xf32, #tpu.memory_space<vmem>> -> memref<1x64x256xf32, #tpu.memory_space<vmem>>
      %dma_start3A_294 = tpu.memref_squeeze %dma_start3A_293 : memref<1x64x256xf32, #tpu.memory_space<vmem>> -> memref<64x256xf32, #tpu.memory_space<vmem>>
      %dma_start3A_295 = arith.constant 0 : i32
      %dma_start3A_296 = tpu.memref_slice %arg4[%add3A_289, %dma_start3A_295] : memref<204800x256xf32, #tpu.memory_space<hbm>> -> memref<64x256xf32, #tpu.memory_space<hbm>>
      %dma_start3A_297 = arith.constant 0 : i32
      %dma_start3A_298 = tpu.memref_slice %arg4[%add3A_289, %dma_start3A_297] : memref<204800x256xf32, #tpu.memory_space<hbm>> -> memref<64x256xf32, #tpu.memory_space<hbm>>
      %dma_start3A_299 = arith.constant 0 : i32
      %dma_start3A_300 = arith.constant 0 : i32
      %dma_start3A_301 = tpu.memref_slice %arg6[%dma_start3A_290, %dma_start3A_299, %dma_start3A_300] : memref<4x64x256xf32, #tpu.memory_space<vmem>> -> memref<1x64x256xf32, #tpu.memory_space<vmem>>
      %dma_start3A_302 = tpu.memref_squeeze %dma_start3A_301 : memref<1x64x256xf32, #tpu.memory_space<vmem>> -> memref<64x256xf32, #tpu.memory_space<vmem>>
      tpu.enqueue_dma source(%dma_start3A_302 : memref<64x256xf32, #tpu.memory_space<vmem>>) target(%dma_start3A_298 : memref<64x256xf32, #tpu.memory_space<hbm>>) target_semaphore(%arg13 : memref<!tpu.dma_semaphore, #tpu.memory_space<semaphore_mem>>)
      %mul3A_303 = arith.constant 4 : i32
      %mul3A_304 = arith.muli %mul3A_303, %scan3A_233 : i32
      %add3A_305 = arith.constant 2 : i32
      %add3A_306 = arith.addi %mul3A_304, %add3A_305 : i32
      %add3A_307 = arith.constant 1 : i32
      %add3A_308 = arith.addi %add3A_306, %add3A_307 : i32
      %sub3A_309 = arith.constant 2 : i32
      %sub3A_310 = arith.subi %add3A_308, %sub3A_309 : i32
      %mul3A_311 = arith.constant 64 : i32
      %mul3A_312 = arith.muli %sub3A_310, %mul3A_311 : i32
      %add3A_313 = arith.addi %mul3A_2, %mul3A_312 : i32
      %dma_wait3A_314 = arith.constant 1 : i32
      %dma_wait3A_315 = arith.constant 0 : i32
      %dma_wait3A_316 = arith.constant 0 : i32
      %dma_wait3A_317 = tpu.memref_slice %arg6[%dma_wait3A_314, %dma_wait3A_315, %dma_wait3A_316] : memref<4x64x256xf32, #tpu.memory_space<vmem>> -> memref<1x64x256xf32, #tpu.memory_space<vmem>>
      %dma_wait3A_318 = tpu.memref_squeeze %dma_wait3A_317 : memref<1x64x256xf32, #tpu.memory_space<vmem>> -> memref<64x256xf32, #tpu.memory_space<vmem>>
      %dma_wait3A_319 = arith.constant 0 : i32
      %dma_wait3A_320 = tpu.memref_slice %arg4[%add3A_313, %dma_wait3A_319] : memref<204800x256xf32, #tpu.memory_space<hbm>> -> memref<64x256xf32, #tpu.memory_space<hbm>>
      %dma_wait3A_321 = arith.constant 0 : i32
      %dma_wait3A_322 = tpu.memref_slice %arg4[%add3A_313, %dma_wait3A_321] : memref<204800x256xf32, #tpu.memory_space<hbm>> -> memref<64x256xf32, #tpu.memory_space<hbm>>
      %dma_wait3A_323 = arith.constant 0 : i32
      %dma_wait3A_324 = arith.constant 0 : i32
      %dma_wait3A_325 = tpu.memref_slice %arg6[%dma_wait3A_314, %dma_wait3A_323, %dma_wait3A_324] : memref<4x64x256xf32, #tpu.memory_space<vmem>> -> memref<1x64x256xf32, #tpu.memory_space<vmem>>
      %dma_wait3A_326 = tpu.memref_squeeze %dma_wait3A_325 : memref<1x64x256xf32, #tpu.memory_space<vmem>> -> memref<64x256xf32, #tpu.memory_space<vmem>>
      tpu.wait_dma2 semaphore(%arg12 : memref<!tpu.dma_semaphore, #tpu.memory_space<semaphore_mem>>) src(%dma_wait3A_326 : memref<64x256xf32, #tpu.memory_space<vmem>>) dst(%dma_wait3A_322 : memref<64x256xf32, #tpu.memory_space<hbm>>)
      %add3A_327 = arith.constant 2 : i32
      %add3A_328 = arith.addi %add3A_308, %add3A_327 : i32
      %mul3A_329 = arith.constant 64 : i32
      %mul3A_330 = arith.muli %add3A_328, %mul3A_329 : i32
      %add3A_331 = arith.addi %mul3A_2, %mul3A_330 : i32
      %run_scoped3A_332 = arith.constant 1 : i32
      "tpu.region"() ({
        %run_scoped3A_513 = tpu.sem_alloc : memref<!tpu.dma_semaphore, #tpu.memory_space<semaphore_mem>>
        %dma_start3A_514 = arith.constant 0 : i32
        %dma_start3A_515 = tpu.memref_slice %arg5[%run_scoped3A_332, %dma_start3A_514] : memref<4x64xi32, #tpu.memory_space<vmem>> -> memref<1x64xi32, #tpu.memory_space<vmem>>
        %dma_start3A_516 = tpu.memref_squeeze %dma_start3A_515 : memref<1x64xi32, #tpu.memory_space<vmem>> -> memref<64xi32, #tpu.memory_space<vmem>>
        %dma_start3A_517 = tpu.memref_slice %arg3[%add3A_331] : memref<204800xi32, #tpu.memory_space<hbm>> -> memref<64xi32, #tpu.memory_space<hbm>>
        %dma_start3A_518 = arith.constant 0 : i32
        %dma_start3A_519 = tpu.memref_slice %arg5[%run_scoped3A_332, %dma_start3A_518] : memref<4x64xi32, #tpu.memory_space<vmem>> -> memref<1x64xi32, #tpu.memory_space<vmem>>
        %dma_start3A_520 = tpu.memref_squeeze %dma_start3A_519 : memref<1x64xi32, #tpu.memory_space<vmem>> -> memref<64xi32, #tpu.memory_space<vmem>>
        %dma_start3A_521 = tpu.memref_slice %arg3[%add3A_331] : memref<204800xi32, #tpu.memory_space<hbm>> -> memref<64xi32, #tpu.memory_space<hbm>>
        tpu.enqueue_dma source(%dma_start3A_521 : memref<64xi32, #tpu.memory_space<hbm>>) target(%dma_start3A_520 : memref<64xi32, #tpu.memory_space<vmem>>) target_semaphore(%run_scoped3A_513 : memref<!tpu.dma_semaphore, #tpu.memory_space<semaphore_mem>>)
        %dma_wait3A_522 = arith.constant 0 : i32
        %dma_wait3A_523 = tpu.memref_slice %arg5[%run_scoped3A_332, %dma_wait3A_522] : memref<4x64xi32, #tpu.memory_space<vmem>> -> memref<1x64xi32, #tpu.memory_space<vmem>>
        %dma_wait3A_524 = tpu.memref_squeeze %dma_wait3A_523 : memref<1x64xi32, #tpu.memory_space<vmem>> -> memref<64xi32, #tpu.memory_space<vmem>>
        %dma_wait3A_525 = tpu.memref_slice %arg3[%add3A_331] : memref<204800xi32, #tpu.memory_space<hbm>> -> memref<64xi32, #tpu.memory_space<hbm>>
        %dma_wait3A_526 = arith.constant 0 : i32
        %dma_wait3A_527 = tpu.memref_slice %arg5[%run_scoped3A_332, %dma_wait3A_526] : memref<4x64xi32, #tpu.memory_space<vmem>> -> memref<1x64xi32, #tpu.memory_space<vmem>>
        %dma_wait3A_528 = tpu.memref_squeeze %dma_wait3A_527 : memref<1x64xi32, #tpu.memory_space<vmem>> -> memref<64xi32, #tpu.memory_space<vmem>>
        %dma_wait3A_529 = tpu.memref_slice %arg3[%add3A_331] : memref<204800xi32, #tpu.memory_space<hbm>> -> memref<64xi32, #tpu.memory_space<hbm>>
        tpu.wait_dma2 semaphore(%run_scoped3A_513 : memref<!tpu.dma_semaphore, #tpu.memory_space<semaphore_mem>>) src(%dma_wait3A_529 : memref<64xi32, #tpu.memory_space<hbm>>) dst(%dma_wait3A_528 : memref<64xi32, #tpu.memory_space<vmem>>)
        tpu.yield
      }) : () -> ()
      %dma_start3A_333 = arith.constant 1 : i32
      %dma_start3A_334 = arith.constant 1 : i32
      %dma_start3A_335 = arith.constant 0 : i32
      %dma_start3A_336 = arith.constant 0 : i32
      %dma_start3A_337 = tpu.memref_slice %arg6[%dma_start3A_334, %dma_start3A_335, %dma_start3A_336] : memref<4x64x256xf32, #tpu.memory_space<vmem>> -> memref<1x64x256xf32, #tpu.memory_space<vmem>>
      %dma_start3A_338 = tpu.memref_squeeze %dma_start3A_337 : memref<1x64x256xf32, #tpu.memory_space<vmem>> -> memref<64x256xf32, #tpu.memory_space<vmem>>
      %dma_start3A_339 = arith.constant 0 : i32
      %dma_start3A_340 = tpu.memref_slice %arg5[%dma_start3A_333, %dma_start3A_339] : memref<4x64xi32, #tpu.memory_space<vmem>> -> memref<1x64xi32, #tpu.memory_space<vmem>>
      %dma_start3A_341 = tpu.memref_squeeze %dma_start3A_340 : memref<1x64xi32, #tpu.memory_space<vmem>> -> memref<64xi32, #tpu.memory_space<vmem>>
      %dma_start3A_342 = arith.constant 0 : i32
      %dma_start3A_343 = arith.constant 0 : i32
      %dma_start3A_344 = tpu.memref_slice %arg2[%dma_start3A_342, %dma_start3A_343] : memref<8192x256xf32, #tpu.memory_space<hbm>> -> memref<8192x256xf32, #tpu.memory_space<hbm>>
      tpu.enqueue_indirect_dma source(%dma_start3A_344 : memref<8192x256xf32, #tpu.memory_space<hbm>>) target(%dma_start3A_338 : memref<64x256xf32, #tpu.memory_space<vmem>>) offsets(%dma_start3A_341 : memref<64xi32, #tpu.memory_space<vmem>>) semaphore(%arg8 : memref<!tpu.dma_semaphore, #tpu.memory_space<semaphore_mem>>)
      %dma_wait3A_345 = arith.constant 3 : i32
      %dma_wait3A_346 = arith.constant 3 : i32
      %dma_wait3A_347 = arith.constant 0 : i32
      %dma_wait3A_348 = arith.constant 0 : i32
      %dma_wait3A_349 = tpu.memref_slice %arg6[%dma_wait3A_346, %dma_wait3A_347, %dma_wait3A_348] : memref<4x64x256xf32, #tpu.memory_space<vmem>> -> memref<1x64x256xf32, #tpu.memory_space<vmem>>
      %dma_wait3A_350 = tpu.memref_squeeze %dma_wait3A_349 : memref<1x64x256xf32, #tpu.memory_space<vmem>> -> memref<64x256xf32, #tpu.memory_space<vmem>>
      %dma_wait3A_351 = arith.constant 0 : i32
      %dma_wait3A_352 = tpu.memref_slice %arg5[%dma_wait3A_345, %dma_wait3A_351] : memref<4x64xi32, #tpu.memory_space<vmem>> -> memref<1x64xi32, #tpu.memory_space<vmem>>
      %dma_wait3A_353 = tpu.memref_squeeze %dma_wait3A_352 : memref<1x64xi32, #tpu.memory_space<vmem>> -> memref<64xi32, #tpu.memory_space<vmem>>
      %dma_wait3A_354 = arith.constant 0 : i32
      %dma_wait3A_355 = arith.constant 0 : i32
      %dma_wait3A_356 = tpu.memref_slice %arg2[%dma_wait3A_354, %dma_wait3A_355] : memref<8192x256xf32, #tpu.memory_space<hbm>> -> memref<8192x256xf32, #tpu.memory_space<hbm>>
      tpu.wait_indirect_dma semaphore(%arg10 : memref<!tpu.dma_semaphore, #tpu.memory_space<semaphore_mem>>) src(%dma_wait3A_356 : memref<8192x256xf32, #tpu.memory_space<hbm>>) dst(%dma_wait3A_350 : memref<64x256xf32, #tpu.memory_space<vmem>>)
      %mul3A_357 = arith.constant 64 : i32
      %mul3A_358 = arith.muli %add3A_308, %mul3A_357 : i32
      %add3A_359 = arith.addi %mul3A_2, %mul3A_358 : i32
      %dma_start3A_360 = arith.constant 3 : i32
      %dma_start3A_361 = arith.constant 0 : i32
      %dma_start3A_362 = arith.constant 0 : i32
      %dma_start3A_363 = tpu.memref_slice %arg6[%dma_start3A_360, %dma_start3A_361, %dma_start3A_362] : memref<4x64x256xf32, #tpu.memory_space<vmem>> -> memref<1x64x256xf32, #tpu.memory_space<vmem>>
      %dma_start3A_364 = tpu.memref_squeeze %dma_start3A_363 : memref<1x64x256xf32, #tpu.memory_space<vmem>> -> memref<64x256xf32, #tpu.memory_space<vmem>>
      %dma_start3A_365 = arith.constant 0 : i32
      %dma_start3A_366 = tpu.memref_slice %arg4[%add3A_359, %dma_start3A_365] : memref<204800x256xf32, #tpu.memory_space<hbm>> -> memref<64x256xf32, #tpu.memory_space<hbm>>
      %dma_start3A_367 = arith.constant 0 : i32
      %dma_start3A_368 = tpu.memref_slice %arg4[%add3A_359, %dma_start3A_367] : memref<204800x256xf32, #tpu.memory_space<hbm>> -> memref<64x256xf32, #tpu.memory_space<hbm>>
      %dma_start3A_369 = arith.constant 0 : i32
      %dma_start3A_370 = arith.constant 0 : i32
      %dma_start3A_371 = tpu.memref_slice %arg6[%dma_start3A_360, %dma_start3A_369, %dma_start3A_370] : memref<4x64x256xf32, #tpu.memory_space<vmem>> -> memref<1x64x256xf32, #tpu.memory_space<vmem>>
      %dma_start3A_372 = tpu.memref_squeeze %dma_start3A_371 : memref<1x64x256xf32, #tpu.memory_space<vmem>> -> memref<64x256xf32, #tpu.memory_space<vmem>>
      tpu.enqueue_dma source(%dma_start3A_372 : memref<64x256xf32, #tpu.memory_space<vmem>>) target(%dma_start3A_368 : memref<64x256xf32, #tpu.memory_space<hbm>>) target_semaphore(%arg14 : memref<!tpu.dma_semaphore, #tpu.memory_space<semaphore_mem>>)
      %mul3A_373 = arith.constant 4 : i32
      %mul3A_374 = arith.muli %mul3A_373, %scan3A_233 : i32
      %add3A_375 = arith.constant 2 : i32
      %add3A_376 = arith.addi %mul3A_374, %add3A_375 : i32
      %add3A_377 = arith.constant 2 : i32
      %add3A_378 = arith.addi %add3A_376, %add3A_377 : i32
      %sub3A_379 = arith.constant 2 : i32
      %sub3A_380 = arith.subi %add3A_378, %sub3A_379 : i32
      %mul3A_381 = arith.constant 64 : i32
      %mul3A_382 = arith.muli %sub3A_380, %mul3A_381 : i32
      %add3A_383 = arith.addi %mul3A_2, %mul3A_382 : i32
      %dma_wait3A_384 = arith.constant 2 : i32
      %dma_wait3A_385 = arith.constant 0 : i32
      %dma_wait3A_386 = arith.constant 0 : i32
      %dma_wait3A_387 = tpu.memref_slice %arg6[%dma_wait3A_384, %dma_wait3A_385, %dma_wait3A_386] : memref<4x64x256xf32, #tpu.memory_space<vmem>> -> memref<1x64x256xf32, #tpu.memory_space<vmem>>
      %dma_wait3A_388 = tpu.memref_squeeze %dma_wait3A_387 : memref<1x64x256xf32, #tpu.memory_space<vmem>> -> memref<64x256xf32, #tpu.memory_space<vmem>>
      %dma_wait3A_389 = arith.constant 0 : i32
      %dma_wait3A_390 = tpu.memref_slice %arg4[%add3A_383, %dma_wait3A_389] : memref<204800x256xf32, #tpu.memory_space<hbm>> -> memref<64x256xf32, #tpu.memory_space<hbm>>
      %dma_wait3A_391 = arith.constant 0 : i32
      %dma_wait3A_392 = tpu.memref_slice %arg4[%add3A_383, %dma_wait3A_391] : memref<204800x256xf32, #tpu.memory_space<hbm>> -> memref<64x256xf32, #tpu.memory_space<hbm>>
      %dma_wait3A_393 = arith.constant 0 : i32
      %dma_wait3A_394 = arith.constant 0 : i32
      %dma_wait3A_395 = tpu.memref_slice %arg6[%dma_wait3A_384, %dma_wait3A_393, %dma_wait3A_394] : memref<4x64x256xf32, #tpu.memory_space<vmem>> -> memref<1x64x256xf32, #tpu.memory_space<vmem>>
      %dma_wait3A_396 = tpu.memref_squeeze %dma_wait3A_395 : memref<1x64x256xf32, #tpu.memory_space<vmem>> -> memref<64x256xf32, #tpu.memory_space<vmem>>
      tpu.wait_dma2 semaphore(%arg13 : memref<!tpu.dma_semaphore, #tpu.memory_space<semaphore_mem>>) src(%dma_wait3A_396 : memref<64x256xf32, #tpu.memory_space<vmem>>) dst(%dma_wait3A_392 : memref<64x256xf32, #tpu.memory_space<hbm>>)
      %add3A_397 = arith.constant 2 : i32
      %add3A_398 = arith.addi %add3A_378, %add3A_397 : i32
      %mul3A_399 = arith.constant 64 : i32
      %mul3A_400 = arith.muli %add3A_398, %mul3A_399 : i32
      %add3A_401 = arith.addi %mul3A_2, %mul3A_400 : i32
      %run_scoped3A_402 = arith.constant 2 : i32
      "tpu.region"() ({
        %run_scoped3A_513 = tpu.sem_alloc : memref<!tpu.dma_semaphore, #tpu.memory_space<semaphore_mem>>
        %dma_start3A_514 = arith.constant 0 : i32
        %dma_start3A_515 = tpu.memref_slice %arg5[%run_scoped3A_402, %dma_start3A_514] : memref<4x64xi32, #tpu.memory_space<vmem>> -> memref<1x64xi32, #tpu.memory_space<vmem>>
        %dma_start3A_516 = tpu.memref_squeeze %dma_start3A_515 : memref<1x64xi32, #tpu.memory_space<vmem>> -> memref<64xi32, #tpu.memory_space<vmem>>
        %dma_start3A_517 = tpu.memref_slice %arg3[%add3A_401] : memref<204800xi32, #tpu.memory_space<hbm>> -> memref<64xi32, #tpu.memory_space<hbm>>
        %dma_start3A_518 = arith.constant 0 : i32
        %dma_start3A_519 = tpu.memref_slice %arg5[%run_scoped3A_402, %dma_start3A_518] : memref<4x64xi32, #tpu.memory_space<vmem>> -> memref<1x64xi32, #tpu.memory_space<vmem>>
        %dma_start3A_520 = tpu.memref_squeeze %dma_start3A_519 : memref<1x64xi32, #tpu.memory_space<vmem>> -> memref<64xi32, #tpu.memory_space<vmem>>
        %dma_start3A_521 = tpu.memref_slice %arg3[%add3A_401] : memref<204800xi32, #tpu.memory_space<hbm>> -> memref<64xi32, #tpu.memory_space<hbm>>
        tpu.enqueue_dma source(%dma_start3A_521 : memref<64xi32, #tpu.memory_space<hbm>>) target(%dma_start3A_520 : memref<64xi32, #tpu.memory_space<vmem>>) target_semaphore(%run_scoped3A_513 : memref<!tpu.dma_semaphore, #tpu.memory_space<semaphore_mem>>)
        %dma_wait3A_522 = arith.constant 0 : i32
        %dma_wait3A_523 = tpu.memref_slice %arg5[%run_scoped3A_402, %dma_wait3A_522] : memref<4x64xi32, #tpu.memory_space<vmem>> -> memref<1x64xi32, #tpu.memory_space<vmem>>
        %dma_wait3A_524 = tpu.memref_squeeze %dma_wait3A_523 : memref<1x64xi32, #tpu.memory_space<vmem>> -> memref<64xi32, #tpu.memory_space<vmem>>
        %dma_wait3A_525 = tpu.memref_slice %arg3[%add3A_401] : memref<204800xi32, #tpu.memory_space<hbm>> -> memref<64xi32, #tpu.memory_space<hbm>>
        %dma_wait3A_526 = arith.constant 0 : i32
        %dma_wait3A_527 = tpu.memref_slice %arg5[%run_scoped3A_402, %dma_wait3A_526] : memref<4x64xi32, #tpu.memory_space<vmem>> -> memref<1x64xi32, #tpu.memory_space<vmem>>
        %dma_wait3A_528 = tpu.memref_squeeze %dma_wait3A_527 : memref<1x64xi32, #tpu.memory_space<vmem>> -> memref<64xi32, #tpu.memory_space<vmem>>
        %dma_wait3A_529 = tpu.memref_slice %arg3[%add3A_401] : memref<204800xi32, #tpu.memory_space<hbm>> -> memref<64xi32, #tpu.memory_space<hbm>>
        tpu.wait_dma2 semaphore(%run_scoped3A_513 : memref<!tpu.dma_semaphore, #tpu.memory_space<semaphore_mem>>) src(%dma_wait3A_529 : memref<64xi32, #tpu.memory_space<hbm>>) dst(%dma_wait3A_528 : memref<64xi32, #tpu.memory_space<vmem>>)
        tpu.yield
      }) : () -> ()
      %dma_start3A_403 = arith.constant 2 : i32
      %dma_start3A_404 = arith.constant 2 : i32
      %dma_start3A_405 = arith.constant 0 : i32
      %dma_start3A_406 = arith.constant 0 : i32
      %dma_start3A_407 = tpu.memref_slice %arg6[%dma_start3A_404, %dma_start3A_405, %dma_start3A_406] : memref<4x64x256xf32, #tpu.memory_space<vmem>> -> memref<1x64x256xf32, #tpu.memory_space<vmem>>
      %dma_start3A_408 = tpu.memref_squeeze %dma_start3A_407 : memref<1x64x256xf32, #tpu.memory_space<vmem>> -> memref<64x256xf32, #tpu.memory_space<vmem>>
      %dma_start3A_409 = arith.constant 0 : i32
      %dma_start3A_410 = tpu.memref_slice %arg5[%dma_start3A_403, %dma_start3A_409] : memref<4x64xi32, #tpu.memory_space<vmem>> -> memref<1x64xi32, #tpu.memory_space<vmem>>
      %dma_start3A_411 = tpu.memref_squeeze %dma_start3A_410 : memref<1x64xi32, #tpu.memory_space<vmem>> -> memref<64xi32, #tpu.memory_space<vmem>>
      %dma_start3A_412 = arith.constant 0 : i32
      %dma_start3A_413 = arith.constant 0 : i32
      %dma_start3A_414 = tpu.memref_slice %arg2[%dma_start3A_412, %dma_start3A_413] : memref<8192x256xf32, #tpu.memory_space<hbm>> -> memref<8192x256xf32, #tpu.memory_space<hbm>>
      tpu.enqueue_indirect_dma source(%dma_start3A_414 : memref<8192x256xf32, #tpu.memory_space<hbm>>) target(%dma_start3A_408 : memref<64x256xf32, #tpu.memory_space<vmem>>) offsets(%dma_start3A_411 : memref<64xi32, #tpu.memory_space<vmem>>) semaphore(%arg9 : memref<!tpu.dma_semaphore, #tpu.memory_space<semaphore_mem>>)
      %dma_wait3A_415 = arith.constant 0 : i32
      %dma_wait3A_416 = arith.constant 0 : i32
      %dma_wait3A_417 = arith.constant 0 : i32
      %dma_wait3A_418 = arith.constant 0 : i32
      %dma_wait3A_419 = tpu.memref_slice %arg6[%dma_wait3A_416, %dma_wait3A_417, %dma_wait3A_418] : memref<4x64x256xf32, #tpu.memory_space<vmem>> -> memref<1x64x256xf32, #tpu.memory_space<vmem>>
      %dma_wait3A_420 = tpu.memref_squeeze %dma_wait3A_419 : memref<1x64x256xf32, #tpu.memory_space<vmem>> -> memref<64x256xf32, #tpu.memory_space<vmem>>
      %dma_wait3A_421 = arith.constant 0 : i32
      %dma_wait3A_422 = tpu.memref_slice %arg5[%dma_wait3A_415, %dma_wait3A_421] : memref<4x64xi32, #tpu.memory_space<vmem>> -> memref<1x64xi32, #tpu.memory_space<vmem>>
      %dma_wait3A_423 = tpu.memref_squeeze %dma_wait3A_422 : memref<1x64xi32, #tpu.memory_space<vmem>> -> memref<64xi32, #tpu.memory_space<vmem>>
      %dma_wait3A_424 = arith.constant 0 : i32
      %dma_wait3A_425 = arith.constant 0 : i32
      %dma_wait3A_426 = tpu.memref_slice %arg2[%dma_wait3A_424, %dma_wait3A_425] : memref<8192x256xf32, #tpu.memory_space<hbm>> -> memref<8192x256xf32, #tpu.memory_space<hbm>>
      tpu.wait_indirect_dma semaphore(%arg7 : memref<!tpu.dma_semaphore, #tpu.memory_space<semaphore_mem>>) src(%dma_wait3A_426 : memref<8192x256xf32, #tpu.memory_space<hbm>>) dst(%dma_wait3A_420 : memref<64x256xf32, #tpu.memory_space<vmem>>)
      %mul3A_427 = arith.constant 64 : i32
      %mul3A_428 = arith.muli %add3A_378, %mul3A_427 : i32
      %add3A_429 = arith.addi %mul3A_2, %mul3A_428 : i32
      %dma_start3A_430 = arith.constant 0 : i32
      %dma_start3A_431 = arith.constant 0 : i32
      %dma_start3A_432 = arith.constant 0 : i32
      %dma_start3A_433 = tpu.memref_slice %arg6[%dma_start3A_430, %dma_start3A_431, %dma_start3A_432] : memref<4x64x256xf32, #tpu.memory_space<vmem>> -> memref<1x64x256xf32, #tpu.memory_space<vmem>>
      %dma_start3A_434 = tpu.memref_squeeze %dma_start3A_433 : memref<1x64x256xf32, #tpu.memory_space<vmem>> -> memref<64x256xf32, #tpu.memory_space<vmem>>
      %dma_start3A_435 = arith.constant 0 : i32
      %dma_start3A_436 = tpu.memref_slice %arg4[%add3A_429, %dma_start3A_435] : memref<204800x256xf32, #tpu.memory_space<hbm>> -> memref<64x256xf32, #tpu.memory_space<hbm>>
      %dma_start3A_437 = arith.constant 0 : i32
      %dma_start3A_438 = tpu.memref_slice %arg4[%add3A_429, %dma_start3A_437] : memref<204800x256xf32, #tpu.memory_space<hbm>> -> memref<64x256xf32, #tpu.memory_space<hbm>>
      %dma_start3A_439 = arith.constant 0 : i32
      %dma_start3A_440 = arith.constant 0 : i32
      %dma_start3A_441 = tpu.memref_slice %arg6[%dma_start3A_430, %dma_start3A_439, %dma_start3A_440] : memref<4x64x256xf32, #tpu.memory_space<vmem>> -> memref<1x64x256xf32, #tpu.memory_space<vmem>>
      %dma_start3A_442 = tpu.memref_squeeze %dma_start3A_441 : memref<1x64x256xf32, #tpu.memory_space<vmem>> -> memref<64x256xf32, #tpu.memory_space<vmem>>
      tpu.enqueue_dma source(%dma_start3A_442 : memref<64x256xf32, #tpu.memory_space<vmem>>) target(%dma_start3A_438 : memref<64x256xf32, #tpu.memory_space<hbm>>) target_semaphore(%arg11 : memref<!tpu.dma_semaphore, #tpu.memory_space<semaphore_mem>>)
      %mul3A_443 = arith.constant 4 : i32
      %mul3A_444 = arith.muli %mul3A_443, %scan3A_233 : i32
      %add3A_445 = arith.constant 2 : i32
      %add3A_446 = arith.addi %mul3A_444, %add3A_445 : i32
      %add3A_447 = arith.constant 3 : i32
      %add3A_448 = arith.addi %add3A_446, %add3A_447 : i32
      %sub3A_449 = arith.constant 2 : i32
      %sub3A_450 = arith.subi %add3A_448, %sub3A_449 : i32
      %mul3A_451 = arith.constant 64 : i32
      %mul3A_452 = arith.muli %sub3A_450, %mul3A_451 : i32
      %add3A_453 = arith.addi %mul3A_2, %mul3A_452 : i32
      %dma_wait3A_454 = arith.constant 3 : i32
      %dma_wait3A_455 = arith.constant 0 : i32
      %dma_wait3A_456 = arith.constant 0 : i32
      %dma_wait3A_457 = tpu.memref_slice %arg6[%dma_wait3A_454, %dma_wait3A_455, %dma_wait3A_456] : memref<4x64x256xf32, #tpu.memory_space<vmem>> -> memref<1x64x256xf32, #tpu.memory_space<vmem>>
      %dma_wait3A_458 = tpu.memref_squeeze %dma_wait3A_457 : memref<1x64x256xf32, #tpu.memory_space<vmem>> -> memref<64x256xf32, #tpu.memory_space<vmem>>
      %dma_wait3A_459 = arith.constant 0 : i32
      %dma_wait3A_460 = tpu.memref_slice %arg4[%add3A_453, %dma_wait3A_459] : memref<204800x256xf32, #tpu.memory_space<hbm>> -> memref<64x256xf32, #tpu.memory_space<hbm>>
      %dma_wait3A_461 = arith.constant 0 : i32
      %dma_wait3A_462 = tpu.memref_slice %arg4[%add3A_453, %dma_wait3A_461] : memref<204800x256xf32, #tpu.memory_space<hbm>> -> memref<64x256xf32, #tpu.memory_space<hbm>>
      %dma_wait3A_463 = arith.constant 0 : i32
      %dma_wait3A_464 = arith.constant 0 : i32
      %dma_wait3A_465 = tpu.memref_slice %arg6[%dma_wait3A_454, %dma_wait3A_463, %dma_wait3A_464] : memref<4x64x256xf32, #tpu.memory_space<vmem>> -> memref<1x64x256xf32, #tpu.memory_space<vmem>>
      %dma_wait3A_466 = tpu.memref_squeeze %dma_wait3A_465 : memref<1x64x256xf32, #tpu.memory_space<vmem>> -> memref<64x256xf32, #tpu.memory_space<vmem>>
      tpu.wait_dma2 semaphore(%arg14 : memref<!tpu.dma_semaphore, #tpu.memory_space<semaphore_mem>>) src(%dma_wait3A_466 : memref<64x256xf32, #tpu.memory_space<vmem>>) dst(%dma_wait3A_462 : memref<64x256xf32, #tpu.memory_space<hbm>>)
      %add3A_467 = arith.constant 2 : i32
      %add3A_468 = arith.addi %add3A_448, %add3A_467 : i32
      %mul3A_469 = arith.constant 64 : i32
      %mul3A_470 = arith.muli %add3A_468, %mul3A_469 : i32
      %add3A_471 = arith.addi %mul3A_2, %mul3A_470 : i32
      %run_scoped3A_472 = arith.constant 3 : i32
      "tpu.region"() ({
        %run_scoped3A_513 = tpu.sem_alloc : memref<!tpu.dma_semaphore, #tpu.memory_space<semaphore_mem>>
        %dma_start3A_514 = arith.constant 0 : i32
        %dma_start3A_515 = tpu.memref_slice %arg5[%run_scoped3A_472, %dma_start3A_514] : memref<4x64xi32, #tpu.memory_space<vmem>> -> memref<1x64xi32, #tpu.memory_space<vmem>>
        %dma_start3A_516 = tpu.memref_squeeze %dma_start3A_515 : memref<1x64xi32, #tpu.memory_space<vmem>> -> memref<64xi32, #tpu.memory_space<vmem>>
        %dma_start3A_517 = tpu.memref_slice %arg3[%add3A_471] : memref<204800xi32, #tpu.memory_space<hbm>> -> memref<64xi32, #tpu.memory_space<hbm>>
        %dma_start3A_518 = arith.constant 0 : i32
        %dma_start3A_519 = tpu.memref_slice %arg5[%run_scoped3A_472, %dma_start3A_518] : memref<4x64xi32, #tpu.memory_space<vmem>> -> memref<1x64xi32, #tpu.memory_space<vmem>>
        %dma_start3A_520 = tpu.memref_squeeze %dma_start3A_519 : memref<1x64xi32, #tpu.memory_space<vmem>> -> memref<64xi32, #tpu.memory_space<vmem>>
        %dma_start3A_521 = tpu.memref_slice %arg3[%add3A_471] : memref<204800xi32, #tpu.memory_space<hbm>> -> memref<64xi32, #tpu.memory_space<hbm>>
        tpu.enqueue_dma source(%dma_start3A_521 : memref<64xi32, #tpu.memory_space<hbm>>) target(%dma_start3A_520 : memref<64xi32, #tpu.memory_space<vmem>>) target_semaphore(%run_scoped3A_513 : memref<!tpu.dma_semaphore, #tpu.memory_space<semaphore_mem>>)
        %dma_wait3A_522 = arith.constant 0 : i32
        %dma_wait3A_523 = tpu.memref_slice %arg5[%run_scoped3A_472, %dma_wait3A_522] : memref<4x64xi32, #tpu.memory_space<vmem>> -> memref<1x64xi32, #tpu.memory_space<vmem>>
        %dma_wait3A_524 = tpu.memref_squeeze %dma_wait3A_523 : memref<1x64xi32, #tpu.memory_space<vmem>> -> memref<64xi32, #tpu.memory_space<vmem>>
        %dma_wait3A_525 = tpu.memref_slice %arg3[%add3A_471] : memref<204800xi32, #tpu.memory_space<hbm>> -> memref<64xi32, #tpu.memory_space<hbm>>
        %dma_wait3A_526 = arith.constant 0 : i32
        %dma_wait3A_527 = tpu.memref_slice %arg5[%run_scoped3A_472, %dma_wait3A_526] : memref<4x64xi32, #tpu.memory_space<vmem>> -> memref<1x64xi32, #tpu.memory_space<vmem>>
        %dma_wait3A_528 = tpu.memref_squeeze %dma_wait3A_527 : memref<1x64xi32, #tpu.memory_space<vmem>> -> memref<64xi32, #tpu.memory_space<vmem>>
        %dma_wait3A_529 = tpu.memref_slice %arg3[%add3A_471] : memref<204800xi32, #tpu.memory_space<hbm>> -> memref<64xi32, #tpu.memory_space<hbm>>
        tpu.wait_dma2 semaphore(%run_scoped3A_513 : memref<!tpu.dma_semaphore, #tpu.memory_space<semaphore_mem>>) src(%dma_wait3A_529 : memref<64xi32, #tpu.memory_space<hbm>>) dst(%dma_wait3A_528 : memref<64xi32, #tpu.memory_space<vmem>>)
        tpu.yield
      }) : () -> ()
      %dma_start3A_473 = arith.constant 3 : i32
      %dma_start3A_474 = arith.constant 3 : i32
      %dma_start3A_475 = arith.constant 0 : i32
      %dma_start3A_476 = arith.constant 0 : i32
      %dma_start3A_477 = tpu.memref_slice %arg6[%dma_start3A_474, %dma_start3A_475, %dma_start3A_476] : memref<4x64x256xf32, #tpu.memory_space<vmem>> -> memref<1x64x256xf32, #tpu.memory_space<vmem>>
      %dma_start3A_478 = tpu.memref_squeeze %dma_start3A_477 : memref<1x64x256xf32, #tpu.memory_space<vmem>> -> memref<64x256xf32, #tpu.memory_space<vmem>>
      %dma_start3A_479 = arith.constant 0 : i32
      %dma_start3A_480 = tpu.memref_slice %arg5[%dma_start3A_473, %dma_start3A_479] : memref<4x64xi32, #tpu.memory_space<vmem>> -> memref<1x64xi32, #tpu.memory_space<vmem>>
      %dma_start3A_481 = tpu.memref_squeeze %dma_start3A_480 : memref<1x64xi32, #tpu.memory_space<vmem>> -> memref<64xi32, #tpu.memory_space<vmem>>
      %dma_start3A_482 = arith.constant 0 : i32
      %dma_start3A_483 = arith.constant 0 : i32
      %dma_start3A_484 = tpu.memref_slice %arg2[%dma_start3A_482, %dma_start3A_483] : memref<8192x256xf32, #tpu.memory_space<hbm>> -> memref<8192x256xf32, #tpu.memory_space<hbm>>
      tpu.enqueue_indirect_dma source(%dma_start3A_484 : memref<8192x256xf32, #tpu.memory_space<hbm>>) target(%dma_start3A_478 : memref<64x256xf32, #tpu.memory_space<vmem>>) offsets(%dma_start3A_481 : memref<64xi32, #tpu.memory_space<vmem>>) semaphore(%arg10 : memref<!tpu.dma_semaphore, #tpu.memory_space<semaphore_mem>>)
      %dma_wait3A_485 = arith.constant 1 : i32
      %dma_wait3A_486 = arith.constant 1 : i32
      %dma_wait3A_487 = arith.constant 0 : i32
      %dma_wait3A_488 = arith.constant 0 : i32
      %dma_wait3A_489 = tpu.memref_slice %arg6[%dma_wait3A_486, %dma_wait3A_487, %dma_wait3A_488] : memref<4x64x256xf32, #tpu.memory_space<vmem>> -> memref<1x64x256xf32, #tpu.memory_space<vmem>>
      %dma_wait3A_490 = tpu.memref_squeeze %dma_wait3A_489 : memref<1x64x256xf32, #tpu.memory_space<vmem>> -> memref<64x256xf32, #tpu.memory_space<vmem>>
      %dma_wait3A_491 = arith.constant 0 : i32
      %dma_wait3A_492 = tpu.memref_slice %arg5[%dma_wait3A_485, %dma_wait3A_491] : memref<4x64xi32, #tpu.memory_space<vmem>> -> memref<1x64xi32, #tpu.memory_space<vmem>>
      %dma_wait3A_493 = tpu.memref_squeeze %dma_wait3A_492 : memref<1x64xi32, #tpu.memory_space<vmem>> -> memref<64xi32, #tpu.memory_space<vmem>>
      %dma_wait3A_494 = arith.constant 0 : i32
      %dma_wait3A_495 = arith.constant 0 : i32
      %dma_wait3A_496 = tpu.memref_slice %arg2[%dma_wait3A_494, %dma_wait3A_495] : memref<8192x256xf32, #tpu.memory_space<hbm>> -> memref<8192x256xf32, #tpu.memory_space<hbm>>
      tpu.wait_indirect_dma semaphore(%arg8 : memref<!tpu.dma_semaphore, #tpu.memory_space<semaphore_mem>>) src(%dma_wait3A_496 : memref<8192x256xf32, #tpu.memory_space<hbm>>) dst(%dma_wait3A_490 : memref<64x256xf32, #tpu.memory_space<vmem>>)
      %mul3A_497 = arith.constant 64 : i32
      %mul3A_498 = arith.muli %add3A_448, %mul3A_497 : i32
      %add3A_499 = arith.addi %mul3A_2, %mul3A_498 : i32
      %dma_start3A_500 = arith.constant 1 : i32
      %dma_start3A_501 = arith.constant 0 : i32
      %dma_start3A_502 = arith.constant 0 : i32
      %dma_start3A_503 = tpu.memref_slice %arg6[%dma_start3A_500, %dma_start3A_501, %dma_start3A_502] : memref<4x64x256xf32, #tpu.memory_space<vmem>> -> memref<1x64x256xf32, #tpu.memory_space<vmem>>
      %dma_start3A_504 = tpu.memref_squeeze %dma_start3A_503 : memref<1x64x256xf32, #tpu.memory_space<vmem>> -> memref<64x256xf32, #tpu.memory_space<vmem>>
      %dma_start3A_505 = arith.constant 0 : i32
      %dma_start3A_506 = tpu.memref_slice %arg4[%add3A_499, %dma_start3A_505] : memref<204800x256xf32, #tpu.memory_space<hbm>> -> memref<64x256xf32, #tpu.memory_space<hbm>>
      %dma_start3A_507 = arith.constant 0 : i32
      %dma_start3A_508 = tpu.memref_slice %arg4[%add3A_499, %dma_start3A_507] : memref<204800x256xf32, #tpu.memory_space<hbm>> -> memref<64x256xf32, #tpu.memory_space<hbm>>
      %dma_start3A_509 = arith.constant 0 : i32
      %dma_start3A_510 = arith.constant 0 : i32
      %dma_start3A_511 = tpu.memref_slice %arg6[%dma_start3A_500, %dma_start3A_509, %dma_start3A_510] : memref<4x64x256xf32, #tpu.memory_space<vmem>> -> memref<1x64x256xf32, #tpu.memory_space<vmem>>
      %dma_start3A_512 = tpu.memref_squeeze %dma_start3A_511 : memref<1x64x256xf32, #tpu.memory_space<vmem>> -> memref<64x256xf32, #tpu.memory_space<vmem>>
      tpu.enqueue_dma source(%dma_start3A_512 : memref<64x256xf32, #tpu.memory_space<vmem>>) target(%dma_start3A_508 : memref<64x256xf32, #tpu.memory_space<hbm>>) target_semaphore(%arg12 : memref<!tpu.dma_semaphore, #tpu.memory_space<semaphore_mem>>)
    }
    %scan3A_118 = arith.constant 24 : i32
    %add3A_119 = arith.constant 6144 : i32
    %add3A_120 = arith.addi %mul3A_2, %add3A_119 : i32
    %dma_wait3A_121 = arith.constant 0 : i32
    %dma_wait3A_122 = arith.constant 0 : i32
    %dma_wait3A_123 = arith.constant 0 : i32
    %dma_wait3A_124 = tpu.memref_slice %arg6[%dma_wait3A_121, %dma_wait3A_122, %dma_wait3A_123] : memref<4x64x256xf32, #tpu.memory_space<vmem>> -> memref<1x64x256xf32, #tpu.memory_space<vmem>>
    %dma_wait3A_125 = tpu.memref_squeeze %dma_wait3A_124 : memref<1x64x256xf32, #tpu.memory_space<vmem>> -> memref<64x256xf32, #tpu.memory_space<vmem>>
    %dma_wait3A_126 = arith.constant 0 : i32
    %dma_wait3A_127 = tpu.memref_slice %arg4[%add3A_120, %dma_wait3A_126] : memref<204800x256xf32, #tpu.memory_space<hbm>> -> memref<64x256xf32, #tpu.memory_space<hbm>>
    %dma_wait3A_128 = arith.constant 0 : i32
    %dma_wait3A_129 = tpu.memref_slice %arg4[%add3A_120, %dma_wait3A_128] : memref<204800x256xf32, #tpu.memory_space<hbm>> -> memref<64x256xf32, #tpu.memory_space<hbm>>
    %dma_wait3A_130 = arith.constant 0 : i32
    %dma_wait3A_131 = arith.constant 0 : i32
    %dma_wait3A_132 = tpu.memref_slice %arg6[%dma_wait3A_121, %dma_wait3A_130, %dma_wait3A_131] : memref<4x64x256xf32, #tpu.memory_space<vmem>> -> memref<1x64x256xf32, #tpu.memory_space<vmem>>
    %dma_wait3A_133 = tpu.memref_squeeze %dma_wait3A_132 : memref<1x64x256xf32, #tpu.memory_space<vmem>> -> memref<64x256xf32, #tpu.memory_space<vmem>>
    tpu.wait_dma2 semaphore(%arg11 : memref<!tpu.dma_semaphore, #tpu.memory_space<semaphore_mem>>) src(%dma_wait3A_133 : memref<64x256xf32, #tpu.memory_space<vmem>>) dst(%dma_wait3A_129 : memref<64x256xf32, #tpu.memory_space<hbm>>)
    %dma_wait3A_134 = arith.constant 2 : i32
    %dma_wait3A_135 = arith.constant 2 : i32
    %dma_wait3A_136 = arith.constant 0 : i32
    %dma_wait3A_137 = arith.constant 0 : i32
    %dma_wait3A_138 = tpu.memref_slice %arg6[%dma_wait3A_135, %dma_wait3A_136, %dma_wait3A_137] : memref<4x64x256xf32, #tpu.memory_space<vmem>> -> memref<1x64x256xf32, #tpu.memory_space<vmem>>
    %dma_wait3A_139 = tpu.memref_squeeze %dma_wait3A_138 : memref<1x64x256xf32, #tpu.memory_space<vmem>> -> memref<64x256xf32, #tpu.memory_space<vmem>>
    %dma_wait3A_140 = arith.constant 0 : i32
    %dma_wait3A_141 = tpu.memref_slice %arg5[%dma_wait3A_134, %dma_wait3A_140] : memref<4x64xi32, #tpu.memory_space<vmem>> -> memref<1x64xi32, #tpu.memory_space<vmem>>
    %dma_wait3A_142 = tpu.memref_squeeze %dma_wait3A_141 : memref<1x64xi32, #tpu.memory_space<vmem>> -> memref<64xi32, #tpu.memory_space<vmem>>
    %dma_wait3A_143 = arith.constant 0 : i32
    %dma_wait3A_144 = arith.constant 0 : i32
    %dma_wait3A_145 = tpu.memref_slice %arg2[%dma_wait3A_143, %dma_wait3A_144] : memref<8192x256xf32, #tpu.memory_space<hbm>> -> memref<8192x256xf32, #tpu.memory_space<hbm>>
    tpu.wait_indirect_dma semaphore(%arg9 : memref<!tpu.dma_semaphore, #tpu.memory_space<semaphore_mem>>) src(%dma_wait3A_145 : memref<8192x256xf32, #tpu.memory_space<hbm>>) dst(%dma_wait3A_139 : memref<64x256xf32, #tpu.memory_space<vmem>>)
    %add3A_146 = arith.constant 6272 : i32
    %add3A_147 = arith.addi %mul3A_2, %add3A_146 : i32
    %dma_start3A_148 = arith.constant 2 : i32
    %dma_start3A_149 = arith.constant 0 : i32
    %dma_start3A_150 = arith.constant 0 : i32
    %dma_start3A_151 = tpu.memref_slice %arg6[%dma_start3A_148, %dma_start3A_149, %dma_start3A_150] : memref<4x64x256xf32, #tpu.memory_space<vmem>> -> memref<1x64x256xf32, #tpu.memory_space<vmem>>
    %dma_start3A_152 = tpu.memref_squeeze %dma_start3A_151 : memref<1x64x256xf32, #tpu.memory_space<vmem>> -> memref<64x256xf32, #tpu.memory_space<vmem>>
    %dma_start3A_153 = arith.constant 0 : i32
    %dma_start3A_154 = tpu.memref_slice %arg4[%add3A_147, %dma_start3A_153] : memref<204800x256xf32, #tpu.memory_space<hbm>> -> memref<64x256xf32, #tpu.memory_space<hbm>>
    %dma_start3A_155 = arith.constant 0 : i32
    %dma_start3A_156 = tpu.memref_slice %arg4[%add3A_147, %dma_start3A_155] : memref<204800x256xf32, #tpu.memory_space<hbm>> -> memref<64x256xf32, #tpu.memory_space<hbm>>
    %dma_start3A_157 = arith.constant 0 : i32
    %dma_start3A_158 = arith.constant 0 : i32
    %dma_start3A_159 = tpu.memref_slice %arg6[%dma_start3A_148, %dma_start3A_157, %dma_start3A_158] : memref<4x64x256xf32, #tpu.memory_space<vmem>> -> memref<1x64x256xf32, #tpu.memory_space<vmem>>
    %dma_start3A_160 = tpu.memref_squeeze %dma_start3A_159 : memref<1x64x256xf32, #tpu.memory_space<vmem>> -> memref<64x256xf32, #tpu.memory_space<vmem>>
    tpu.enqueue_dma source(%dma_start3A_160 : memref<64x256xf32, #tpu.memory_space<vmem>>) target(%dma_start3A_156 : memref<64x256xf32, #tpu.memory_space<hbm>>) target_semaphore(%arg13 : memref<!tpu.dma_semaphore, #tpu.memory_space<semaphore_mem>>)
    %add3A_161 = arith.constant 6208 : i32
    %add3A_162 = arith.addi %mul3A_2, %add3A_161 : i32
    %dma_wait3A_163 = arith.constant 1 : i32
    %dma_wait3A_164 = arith.constant 0 : i32
    %dma_wait3A_165 = arith.constant 0 : i32
    %dma_wait3A_166 = tpu.memref_slice %arg6[%dma_wait3A_163, %dma_wait3A_164, %dma_wait3A_165] : memref<4x64x256xf32, #tpu.memory_space<vmem>> -> memref<1x64x256xf32, #tpu.memory_space<vmem>>
    %dma_wait3A_167 = tpu.memref_squeeze %dma_wait3A_166 : memref<1x64x256xf32, #tpu.memory_space<vmem>> -> memref<64x256xf32, #tpu.memory_space<vmem>>
    %dma_wait3A_168 = arith.constant 0 : i32
    %dma_wait3A_169 = tpu.memref_slice %arg4[%add3A_162, %dma_wait3A_168] : memref<204800x256xf32, #tpu.memory_space<hbm>> -> memref<64x256xf32, #tpu.memory_space<hbm>>
    %dma_wait3A_170 = arith.constant 0 : i32
    %dma_wait3A_171 = tpu.memref_slice %arg4[%add3A_162, %dma_wait3A_170] : memref<204800x256xf32, #tpu.memory_space<hbm>> -> memref<64x256xf32, #tpu.memory_space<hbm>>
    %dma_wait3A_172 = arith.constant 0 : i32
    %dma_wait3A_173 = arith.constant 0 : i32
    %dma_wait3A_174 = tpu.memref_slice %arg6[%dma_wait3A_163, %dma_wait3A_172, %dma_wait3A_173] : memref<4x64x256xf32, #tpu.memory_space<vmem>> -> memref<1x64x256xf32, #tpu.memory_space<vmem>>
    %dma_wait3A_175 = tpu.memref_squeeze %dma_wait3A_174 : memref<1x64x256xf32, #tpu.memory_space<vmem>> -> memref<64x256xf32, #tpu.memory_space<vmem>>
    tpu.wait_dma2 semaphore(%arg12 : memref<!tpu.dma_semaphore, #tpu.memory_space<semaphore_mem>>) src(%dma_wait3A_175 : memref<64x256xf32, #tpu.memory_space<vmem>>) dst(%dma_wait3A_171 : memref<64x256xf32, #tpu.memory_space<hbm>>)
    %dma_wait3A_176 = arith.constant 3 : i32
    %dma_wait3A_177 = arith.constant 3 : i32
    %dma_wait3A_178 = arith.constant 0 : i32
    %dma_wait3A_179 = arith.constant 0 : i32
    %dma_wait3A_180 = tpu.memref_slice %arg6[%dma_wait3A_177, %dma_wait3A_178, %dma_wait3A_179] : memref<4x64x256xf32, #tpu.memory_space<vmem>> -> memref<1x64x256xf32, #tpu.memory_space<vmem>>
    %dma_wait3A_181 = tpu.memref_squeeze %dma_wait3A_180 : memref<1x64x256xf32, #tpu.memory_space<vmem>> -> memref<64x256xf32, #tpu.memory_space<vmem>>
    %dma_wait3A_182 = arith.constant 0 : i32
    %dma_wait3A_183 = tpu.memref_slice %arg5[%dma_wait3A_176, %dma_wait3A_182] : memref<4x64xi32, #tpu.memory_space<vmem>> -> memref<1x64xi32, #tpu.memory_space<vmem>>
    %dma_wait3A_184 = tpu.memref_squeeze %dma_wait3A_183 : memref<1x64xi32, #tpu.memory_space<vmem>> -> memref<64xi32, #tpu.memory_space<vmem>>
    %dma_wait3A_185 = arith.constant 0 : i32
    %dma_wait3A_186 = arith.constant 0 : i32
    %dma_wait3A_187 = tpu.memref_slice %arg2[%dma_wait3A_185, %dma_wait3A_186] : memref<8192x256xf32, #tpu.memory_space<hbm>> -> memref<8192x256xf32, #tpu.memory_space<hbm>>
    tpu.wait_indirect_dma semaphore(%arg10 : memref<!tpu.dma_semaphore, #tpu.memory_space<semaphore_mem>>) src(%dma_wait3A_187 : memref<8192x256xf32, #tpu.memory_space<hbm>>) dst(%dma_wait3A_181 : memref<64x256xf32, #tpu.memory_space<vmem>>)
    %add3A_188 = arith.constant 6336 : i32
    %add3A_189 = arith.addi %mul3A_2, %add3A_188 : i32
    %dma_start3A_190 = arith.constant 3 : i32
    %dma_start3A_191 = arith.constant 0 : i32
    %dma_start3A_192 = arith.constant 0 : i32
    %dma_start3A_193 = tpu.memref_slice %arg6[%dma_start3A_190, %dma_start3A_191, %dma_start3A_192] : memref<4x64x256xf32, #tpu.memory_space<vmem>> -> memref<1x64x256xf32, #tpu.memory_space<vmem>>
    %dma_start3A_194 = tpu.memref_squeeze %dma_start3A_193 : memref<1x64x256xf32, #tpu.memory_space<vmem>> -> memref<64x256xf32, #tpu.memory_space<vmem>>
    %dma_start3A_195 = arith.constant 0 : i32
    %dma_start3A_196 = tpu.memref_slice %arg4[%add3A_189, %dma_start3A_195] : memref<204800x256xf32, #tpu.memory_space<hbm>> -> memref<64x256xf32, #tpu.memory_space<hbm>>
    %dma_start3A_197 = arith.constant 0 : i32
    %dma_start3A_198 = tpu.memref_slice %arg4[%add3A_189, %dma_start3A_197] : memref<204800x256xf32, #tpu.memory_space<hbm>> -> memref<64x256xf32, #tpu.memory_space<hbm>>
    %dma_start3A_199 = arith.constant 0 : i32
    %dma_start3A_200 = arith.constant 0 : i32
    %dma_start3A_201 = tpu.memref_slice %arg6[%dma_start3A_190, %dma_start3A_199, %dma_start3A_200] : memref<4x64x256xf32, #tpu.memory_space<vmem>> -> memref<1x64x256xf32, #tpu.memory_space<vmem>>
    %dma_start3A_202 = tpu.memref_squeeze %dma_start3A_201 : memref<1x64x256xf32, #tpu.memory_space<vmem>> -> memref<64x256xf32, #tpu.memory_space<vmem>>
    tpu.enqueue_dma source(%dma_start3A_202 : memref<64x256xf32, #tpu.memory_space<vmem>>) target(%dma_start3A_198 : memref<64x256xf32, #tpu.memory_space<hbm>>) target_semaphore(%arg14 : memref<!tpu.dma_semaphore, #tpu.memory_space<semaphore_mem>>)
    %add3A_203 = arith.constant 6272 : i32
    %add3A_204 = arith.addi %mul3A_2, %add3A_203 : i32
    %dma_wait3A_205 = arith.constant 2 : i32
    %dma_wait3A_206 = arith.constant 0 : i32
    %dma_wait3A_207 = arith.constant 0 : i32
    %dma_wait3A_208 = tpu.memref_slice %arg6[%dma_wait3A_205, %dma_wait3A_206, %dma_wait3A_207] : memref<4x64x256xf32, #tpu.memory_space<vmem>> -> memref<1x64x256xf32, #tpu.memory_space<vmem>>
    %dma_wait3A_209 = tpu.memref_squeeze %dma_wait3A_208 : memref<1x64x256xf32, #tpu.memory_space<vmem>> -> memref<64x256xf32, #tpu.memory_space<vmem>>
    %dma_wait3A_210 = arith.constant 0 : i32
    %dma_wait3A_211 = tpu.memref_slice %arg4[%add3A_204, %dma_wait3A_210] : memref<204800x256xf32, #tpu.memory_space<hbm>> -> memref<64x256xf32, #tpu.memory_space<hbm>>
    %dma_wait3A_212 = arith.constant 0 : i32
    %dma_wait3A_213 = tpu.memref_slice %arg4[%add3A_204, %dma_wait3A_212] : memref<204800x256xf32, #tpu.memory_space<hbm>> -> memref<64x256xf32, #tpu.memory_space<hbm>>
    %dma_wait3A_214 = arith.constant 0 : i32
    %dma_wait3A_215 = arith.constant 0 : i32
    %dma_wait3A_216 = tpu.memref_slice %arg6[%dma_wait3A_205, %dma_wait3A_214, %dma_wait3A_215] : memref<4x64x256xf32, #tpu.memory_space<vmem>> -> memref<1x64x256xf32, #tpu.memory_space<vmem>>
    %dma_wait3A_217 = tpu.memref_squeeze %dma_wait3A_216 : memref<1x64x256xf32, #tpu.memory_space<vmem>> -> memref<64x256xf32, #tpu.memory_space<vmem>>
    tpu.wait_dma2 semaphore(%arg13 : memref<!tpu.dma_semaphore, #tpu.memory_space<semaphore_mem>>) src(%dma_wait3A_217 : memref<64x256xf32, #tpu.memory_space<vmem>>) dst(%dma_wait3A_213 : memref<64x256xf32, #tpu.memory_space<hbm>>)
    %add3A_218 = arith.constant 6336 : i32
    %add3A_219 = arith.addi %mul3A_2, %add3A_218 : i32
    %dma_wait3A_220 = arith.constant 3 : i32
    %dma_wait3A_221 = arith.constant 0 : i32
    %dma_wait3A_222 = arith.constant 0 : i32
    %dma_wait3A_223 = tpu.memref_slice %arg6[%dma_wait3A_220, %dma_wait3A_221, %dma_wait3A_222] : memref<4x64x256xf32, #tpu.memory_space<vmem>> -> memref<1x64x256xf32, #tpu.memory_space<vmem>>
    %dma_wait3A_224 = tpu.memref_squeeze %dma_wait3A_223 : memref<1x64x256xf32, #tpu.memory_space<vmem>> -> memref<64x256xf32, #tpu.memory_space<vmem>>
    %dma_wait3A_225 = arith.constant 0 : i32
    %dma_wait3A_226 = tpu.memref_slice %arg4[%add3A_219, %dma_wait3A_225] : memref<204800x256xf32, #tpu.memory_space<hbm>> -> memref<64x256xf32, #tpu.memory_space<hbm>>
    %dma_wait3A_227 = arith.constant 0 : i32
    %dma_wait3A_228 = tpu.memref_slice %arg4[%add3A_219, %dma_wait3A_227] : memref<204800x256xf32, #tpu.memory_space<hbm>> -> memref<64x256xf32, #tpu.memory_space<hbm>>
    %dma_wait3A_229 = arith.constant 0 : i32
    %dma_wait3A_230 = arith.constant 0 : i32
    %dma_wait3A_231 = tpu.memref_slice %arg6[%dma_wait3A_220, %dma_wait3A_229, %dma_wait3A_230] : memref<4x64x256xf32, #tpu.memory_space<vmem>> -> memref<1x64x256xf32, #tpu.memory_space<vmem>>
    %dma_wait3A_232 = tpu.memref_squeeze %dma_wait3A_231 : memref<1x64x256xf32, #tpu.memory_space<vmem>> -> memref<64x256xf32, #tpu.memory_space<vmem>>
    tpu.wait_dma2 semaphore(%arg14 : memref<!tpu.dma_semaphore, #tpu.memory_space<semaphore_mem>>) src(%dma_wait3A_232 : memref<64x256xf32, #tpu.memory_space<vmem>>) dst(%dma_wait3A_228 : memref<64x256xf32, #tpu.memory_space<hbm>>)
    return
  }
}

module attributes {stable_mosaic.version = 14 : i64} {
  func.func @_fused_table_body(%arg0: memref<256x16xf32, #tpu.memory_space<vmem>>, %arg1: memref<16x256xf32, #tpu.memory_space<vmem>>, %arg2: memref<1x256xf32, #tpu.memory_space<vmem>>, %arg3: memref<32x256x256xf32, #tpu.memory_space<vmem>>) attributes {dimension_semantics = [], scalar_prefetch = 0 : i64, scratch_operands = 0 : i64, tpu.core_type = #tpu.core_type<tc>} {
    %get3A = arith.constant 0 : index
    %get3A_0 = arith.constant 0 : index
    %get3A_1 = vector.load %arg0[%get3A, %get3A_0] : memref<256x16xf32, #tpu.memory_space<vmem>>, vector<256x16xf32>
    %get3A_2 = arith.constant 0 : index
    %get3A_3 = arith.constant 0 : index
    %get3A_4 = vector.load %arg1[%get3A_2, %get3A_3] : memref<16x256xf32, #tpu.memory_space<vmem>>, vector<16x256xf32>
    %dot_general3A = arith.constant dense<0.000000e+00> : vector<256x256xf32>
    %dot_general3A_5 = tpu.matmul %get3A_1, %get3A_4, %dot_general3A {dimension_numbers = #tpu.dot_dimension_numbers<[1], [0], [0], [1], [0, 0, 1, 1], [], []>, transpose_lhs_hint = false} : vector<256x16xf32>, vector<16x256xf32>, vector<256x256xf32> -> vector<256x256xf32>
    %get3A_6 = arith.constant 0 : index
    %get3A_7 = arith.constant 0 : index
    %get3A_8 = vector.load %arg2[%get3A_6, %get3A_7] : memref<1x256xf32, #tpu.memory_space<vmem>>, vector<1x256xf32>
    %add3A = vector.broadcast %get3A_8 : vector<1x256xf32> to vector<256x256xf32>
    %add3A_9 = arith.addf %dot_general3A_5, %add3A : vector<256x256xf32>
    %broadcast_in_dim3A = vector.shape_cast %add3A_9 : vector<256x256xf32> to vector<1x256x256xf32>
    %broadcast_in_dim3A_10 = vector.broadcast %broadcast_in_dim3A : vector<1x256x256xf32> to vector<32x256x256xf32>
    %swap3A = arith.constant 0 : index
    %swap3A_11 = arith.constant 0 : index
    %swap3A_12 = arith.constant 0 : index
    %swap3A_13 = vector.load %arg3[%swap3A, %swap3A_11, %swap3A_12] : memref<32x256x256xf32, #tpu.memory_space<vmem>>, vector<32x256x256xf32>
    tpu.vector_store %arg3[%swap3A, %swap3A_11, %swap3A_12], %broadcast_in_dim3A_10 {strides = array<i32>} : memref<32x256x256xf32, #tpu.memory_space<vmem>>, vector<32x256x256xf32>,
    return
  }
}

</mosaic_0001>

<sc_bundles>
// kernel: kernel.4.cloned.1.call-start
scs
__scs_entry_jumppad:
0x0: {  	(pc) =	sbr.rel $0x88, $3  }
0x1: {  	(tag) =	ssettag $0x0;
	lr =	simm.s32 $0x1  }
0x2: {  	[smem:$0x3F9D] =	sst lr;
	_ =	strace $0xD0000000  }
0x3: {  	_ = 	snop  }
0x4: {  	_ = 	snop  }
0x5: {  	_ = 	snop  }
0x6: {  	_ = 	snop  }
0x7: {  	_ = 	snop  }
__scs_overlays_trampoline_lowered:
0x8: {  	[smem:$0x3FAC] =	sst s0  }
0x9: {  	[smem:$0x3FAD] =	sst s1  }
0xa: {  	[smem:$0x3FAE] =	sst s2  }
0xb: {  	[smem:$0x3FAF] =	sst s3  }
0xc: {  	[smem:$0x3FB0] =	sst s4  }
0xd: {  	[smem:$0x3FB1] =	sst s5  }
0xe: {  	[smem:$0x3FB2] =	sst s6  }
0xf: {  	[smem:$0x3FB3] =	sst s7  }
0x10: {  	[smem:$0x3FB4] =	sst s8  }
0x11: {  	[smem:$0x3FB5] =	sst s9;
	s0 =	simm.s32 @!p0 $0x0  }
0x12: {  	s1 =	sld [smem:$0x3F9B];
	s0 =	simm.s32 @p0 $0x1  }
0x13: {  	[smem:$0x3FB6] =	sst s0;
	s0 =	simm.s32 @!p1 $0x0  }
0x14: {  	s2 =	sld [smem:$0x3F9A];
	s0 =	simm.s32 @p1 $0x1  }
0x15: {  	[smem:$0x3FB7] =	sst s0;
	s0 =	simm.s32 @!p2 $0x0  }
0x16: {  	s3 =	sld [smem:$0x3FDB];
	s0 =	simm.s32 @p2 $0x1  }
0x17: {  	s4 =	simm.s32 $0x1BF5;
	[smem:$0x3FB9] =	sst s0  }
0x18: {  	s0 =	sld [smem:$0x3F9C];
	_ =	swait.ge [sflag:s4], $0x0  }
0x19: {  	s7 =	sld [smem:$0x3F9D]  }
0x1a: {  	s8 =	sadd.s32 $0xFFFFE003, lr  }
0x1b: {  	s9 =	sadd.s32 $0xFFFFFEF7, lr;
	s5 =	simm.s32 $0xFFFFFFFF;
	p2 =	slt.u32 s8, $0xFFFFF086  }
0x1c: {  	p1 =	slt.u32 s9, $0xF7A;
	s5 =	simm.s32 @!p2 $0x0  }
0x1d: {  	s5 =	simm.s32 @p1 $0x1;
	p0 =	seq.s32 s7, s2  }
0x1e: {  	s7 =	smul.u32 @!p0 $0xF7A, s2;
	p2 =	seq.s32 @!p0 s5, $0x0  }
0x1f: {  	s9 =	smul.u32 $0xF7A, s1;
	s8 =	simm.s32 @!p0 $0x1BF5;
	p2 =	por !p2, p0  }
0x20: {  	[sflag:s8] =	ssyncset.s32 @!p0 $0xFFFFF086;
	s6 =	sadd.s32 @!p0 s3, s7;
	s7 =	simm.s32 @!p0 $0x108  }
0x21: {  	s3 =	sadd.s32 s3, s9;
	s6 =	sadd.s32 @!p0 $0x88, s6;
	s7 =	simm.s32 @p2 $0x1082  }
0x22: {  	[simem:s7], [sflag:s8] =	dma.local @!p0 [hbm:s6], $0xF7A  }
0x23: {  	s9 =	sor.u32 $0xD0000000, s2;
	s6 =	simm.s32 $0x108;
	_ =	swait.ge @!p0 [sflag:s8], $0x0  }
0x24: {  	s3 =	sadd.s32 $0x88, s3;
	s6 =	simm.s32 @!p1 $0x1082;
	[sflag:s4] =	ssyncset.s32 $0xFFFFF086  }
0x25: {  	[simem:s6], [sflag:s4] =	dma.local [hbm:s3], $0xF7A  }
0x26: {  	[smem:$0x3F9D] =	sst s1;
	(tag) =	ssettag s2;
	_ =	strace s9  }
0x27: {  	s1 =	sld [smem:$0x3FAD]  }
0x28: {  	s2 =	sld [smem:$0x3FAE]  }
0x29: {  	s4 =	sld [smem:$0x3FB0]  }
0x2a: {  	p0 =	seq.s32 s5, $0x0;
	s5 =	sld [smem:$0x3FB1]  }
0x2b: {  	s6 =	sld [smem:$0x3FB2]  }
0x2c: {  	s7 =	sld [smem:$0x3FB3]  }
0x2d: {  	s3 =	simm.s32 $0x108;
	s8 =	sld [smem:$0x3FB4]  }
0x2e: {  	s3 =	simm.s32 @!p0 $0x1082;
	s9 =	sld [smem:$0x3FB5]  }
0x2f: {  	lr =	sadd.s32 s0, s3;
	s0 =	sld [smem:$0x3FAC]  }
0x30: {  	s3 =	sld [smem:$0x3FAF]  }
0x31: {  	[smem:$0x3FB8] =	sst s10  }
0x32: {  	s10 =	sld [smem:$0x3FB6];
	_ =	sdelay $0x3  }
0x33: {  	p0 =	seq.s32 s10, $0x1;
	s10 =	sld [smem:$0x3FB8];
	_ =	sdelay $0x3  }
0x34: {  	[smem:$0x3FB8] =	sst s10  }
0x35: {  	s10 =	sld [smem:$0x3FB7];
	_ =	sdelay $0x3  }
0x36: {  	p1 =	seq.s32 s10, $0x1;
	s10 =	sld [smem:$0x3FB8];
	_ =	sdelay $0x3  }
0x37: {  	[smem:$0x3FB8] =	sst s10  }
0x38: {  	s10 =	sld [smem:$0x3FB9]  }
0x39: {  	_ = 	snop;
	(pc) =	sbr.ind lr, $3  }
0x3a: {  	_ = 	snop  }
0x3b: {  	_ = 	snop  }
0x3c: {  	p2 =	seq.s32 s10, $0x1;
	s10 =	sld [smem:$0x3FB8]  }
0x3d: {  	_ =	shalt  }
0x3e: {  	_ =	shalt  }
0x3f: {  	_ =	shalt  }
0x40: {  	_ =	shalt  }
0x41: {  	_ =	shalt  }
0x42: {  	_ =	shalt  }
0x43: {  	_ =	shalt  }
0x44: {  	_ =	shalt  }
0x45: {  	_ =	shalt  }
0x46: {  	_ =	shalt  }
0x47: {  	_ =	shalt  }
0x48: {  	_ =	shalt  }
0x49: {  	_ =	shalt  }
0x4a: {  	_ =	shalt  }
0x4b: {  	_ =	shalt  }
0x4c: {  	_ =	shalt  }
0x4d: {  	_ =	shalt  }
0x4e: {  	_ =	shalt  }
0x4f: {  	_ =	shalt  }
0x50: {  	_ =	shalt  }
0x51: {  	_ =	shalt  }
0x52: {  	_ =	shalt  }
0x53: {  	_ =	shalt  }
0x54: {  	_ =	shalt  }
0x55: {  	_ =	shalt  }
0x56: {  	_ =	shalt  }
0x57: {  	_ =	shalt  }
0x58: {  	_ =	shalt  }
0x59: {  	_ =	shalt  }
0x5a: {  	_ =	shalt  }
0x5b: {  	_ =	shalt  }
0x5c: {  	_ =	shalt  }
0x5d: {  	_ =	shalt  }
0x5e: {  	_ =	shalt  }
0x5f: {  	_ =	shalt  }
0x60: {  	_ =	shalt  }
0x61: {  	_ =	shalt  }
0x62: {  	_ =	shalt  }
0x63: {  	_ =	shalt  }
0x64: {  	_ =	shalt  }
0x65: {  	_ =	shalt  }
0x66: {  	_ =	shalt  }
0x67: {  	_ =	shalt  }
0x68: {  	_ =	shalt  }
0x69: {  	_ =	shalt  }
0x6a: {  	_ =	shalt  }
0x6b: {  	_ =	shalt  }
0x6c: {  	_ =	shalt  }
0x6d: {  	_ =	shalt  }
0x6e: {  	_ =	shalt  }
0x6f: {  	_ =	shalt  }
0x70: {  	_ =	shalt  }
0x71: {  	_ =	shalt  }
0x72: {  	_ =	shalt  }
0x73: {  	_ =	shalt  }
0x74: {  	_ =	shalt  }
0x75: {  	_ =	shalt  }
0x76: {  	_ =	shalt  }
0x77: {  	_ =	shalt  }
0x78: {  	_ =	shalt  }
0x79: {  	_ =	shalt  }
0x7a: {  	_ =	shalt  }
0x7b: {  	_ =	shalt  }
0x7c: {  	_ =	shalt  }
0x7d: {  	_ =	shalt  }
0x7e: {  	_ =	shalt  }
0x7f: {  	_ =	shalt  }
0x80: {  	_ =	shalt  }
0x81: {  	_ =	shalt  }
0x82: {  	_ =	shalt  }
0x83: {  	_ =	shalt  }
0x84: {  	_ =	shalt  }
0x85: {  	_ =	shalt  }
0x86: {  	_ =	shalt  }
0x87: {  	_ =	shalt  }
.Lfunc_end0:
.L_simem_size_0:
called_computation_lowered:
.L_overlay_start_0:
0x88: {  	s2 =	sld [smem:$0x3FD9]  }
0x89: {  	s3 =	sld [smem:$0x3FFE];
	_ =	sdelay $0x1  }
0x8a: {  	s1 =	srdreg.scid  }
0x8b: {  	s0 =	sand.u32 $0x1, s1  }
0x8c: {  	s17 =	sshll.u32 s0, $0xA;
	s2 =	sadd.s32 s3, s2  }
0x8d: {  	s2 =	sadd.s32 s2, s17  }
0x8e: {  	[smem:$0x3FC4] =	sst s2  }
0x8f: {  	_ = 	snop  }
0x90: {  	s2 =	sld [smem:$0x3FD0];
	(tm) =	ssettm $0x1  }
0x91: {  	s18 =	sld [smem:$0x3FFB];
	_ =	sdelay $0x3  }
0x92: {  	_ =	strace s18  }
0x93: {  	s3 =	sld [smem:$0x3FFC];
	_ =	sdelay $0x3  }
0x94: {  	_ =	strace s3  }
0x95: {  	s3 =	sld [smem:$0x3FFD];
	_ =	sdelay $0x3  }
0x96: {  	_ =	strace s3  }
0x97: {  	_ =	strace $0x8FFFFFFF  }
0x98: {  	s19 =	sld [smem:$0x3FDB];
	_ =	sdelay $0x1  }
0x99: {  	s4 =	simm.s32 $_scs_section_size  }
0x9a: {  	s5 =	simm.s32 $_size__tile_overlayer_lowered;
	s6 =	simm.s32 $_tile_overlayer_lowered  }
0x9b: {  	s22 =	simm.s32 $0x1BFF;
	s21 =	sshll.u32 s6, $0x1;
	s3 =	sadd.s32 s4, s19  }
0x9c: {  	s7 =	simm.s32 $0x0;
	s20 =	sshll.u32 s5, $0x1;
	s5 =	sadd.s32 s21, s3  }
0x9d: {  	[timem:s7], [sflag:s22] =	dma.local [hbm:s5], s20  }
0x9e: {  	_ =	swait.ge [sflag:s22], s20  }
0x9f: {  	s4 =	ssub.s32 $0x0, s20;
	[sflag:s22] =	ssyncset.done $0x0  }
0xa0: {  	[sflag:s22] =	ssyncadd.s32 s4;
	_ =	sdelay $0x1  }
0xa1: {  	s23 =	simm.s32 $0x1B8B  }
0xa2: {  	_ =	swait.ge [sflag:s23], $0x1  }
0xa3: {  	[sflag:s23] =	ssyncset.done $0x0  }
0xa4: {  	s25 =	simm.s32 $0x1B8E;
	s24 =	sld [smem:$0x3FFE];
	[sflag:s23] =	ssyncadd.s32 $0xFFFFFFFF  }
0xa5: {  	s26 =	simm.s32 $execute0_lowered;
	[smem:$0x3FD2] =	sst s25  }
0xa6: {  	s5 =	sshll.u32 s26, $0x1;
	_ =	strace $0x80000046;
	[dreg:$0x1] =	wrdreg $0xFFFFFFFF  }
0xa7: {  	s28 =	simm.s32 $_size_execute0_lowered;
	s3 =	sadd.s32 s3, s5;
	[dreg:$0x0] =	wrdreg $0x0  }
0xa8: {  	s5 =	sshll.u32 s28, $0x1;
	[dreg:$0x2] =	wrdreg s3  }
0xa9: {  	[dreg:$0x3] =	wrdreg s5  }
0xaa: {  	[dreg:$0x4] =	wrdreg $0xC0  }
0xab: {  	_ =	task [dreg:s7], $0x5FFFF  }
0xac: {  	[dreg:$0x1] =	wrdreg $0xFFFFFFFF  }
0xad: {  	[dreg:$0x0] =	wrdreg $0x60  }
0xae: {  	[dreg:$0x2] =	wrdreg s24  }
0xaf: {  	[dreg:$0x3] =	wrdreg s2  }
0xb0: {  	[dreg:$0x4] =	wrdreg $0x9  }
0xb1: {  	_ =	task.clear_ibuf [dreg:s7], $0x5FFFF;
	_ =	strace $0x90000046  }
0xb2: {  	s29 =	simm.s32 $0x9;
	_ =	strace $0x80000048  }
0xb3: {  	_ =	swait.ge [sflag:s29], $0x1  }
0xb4: {  	[sflag:s29] =	ssyncadd.s32 $0xFFFFFFFF  }
0xb5: {  	_ =	strace $0x90000048  }
0xb6: {  	_ =	sfence  }
0xb7: {  	s30 =	sld [smem:$0x0];
	_ =	sdelay $0x2  }
0xb8: {  	s31 =	sshll.u32 s1, $0xD;
	s1 =	sshrl.u32 s1, $0x2  }
0xb9: {  	s3 =	sand.u32 $0x4000, s31;
	s1 =	sadd.s32 s1, s30  }
0xba: {  	s0 =	sor.u32 s3, s0;
	s1 =	sshll.u32 s1, $0x11  }
0xbb: {  	s0 =	sor.u32 s1, s0  }
0xbc: {  	s0 =	sadd.s32 $0x8F2B, s0  }
0xbd: {  	[sflag:s0] =	ssyncadd.remote.s32 $0x1  }
0xbe: {  	_ =	sfence.sel $0xFFFF  }
0xbf: {  	[dreg:$0x0] =	wrdreg $0xFFFFFFFF;
	(pc) =	sbr.abs _section_cstart, $3  }
0xc0: {  	[dreg:$0x1] =	wrdreg $0xFFFFFFFF  }
0xc1: {  	_ =	task.clear_ibuf [dreg:s7], $0x2FFFF;
	_ =	strace $0x9FFFFFFF  }
0xc2: {  	(tm) =	ssettm $0x7FFFFFFF  }
0xc3: {  	_ =	shalt  }
tec
execute0_lowered:
.L_overlay_start_1:
0x0: {  	(tag) =	ssettag $0x1  }
0x1: {  	s0 =	rddreg [dreg:$0x0]  }
0x2: {  	s1 =	rddreg [dreg:$0x1]  }
0x3: {  	s3 =	srdreg.scid;
	s11 =	stileid.u32;
	s2 =	simm.s32 $0x0  }
0x4: {  	s28 =	simm.s32 $0x6A00;
	s29 =	simm.s32 $0x7200;
	s30 =	simm.s32 $0x7A00  }
0x5: {  	s31 =	simm.s32 $0x2;
	s5 =	sand.u32 $0x1, s3;
	s26 =	smul.u32 $0x3200, s11  }
0x6: {  	s22 =	sshll.u32 s11, $0x1;
	[smem:$0x7FF] =	sst s2;
	s20 =	smul.u32 $0x64000, s11  }
0x7: {  	s3 =	sadd.s32 $0x6E00, s0;
	s4 =	sadd.s32 $0xA00, s0;
	s14 =	smul.u32 $0x1900, s5  }
0x8: {  	s6 =	sor.u32 s5, s22;
	s7 =	ssub.s32 $0x2, s5;
	s5 =	smul.u32 $0x32000, s5  }
0x9: {  	s11 =	simm.s32 $0x1200;
	_ =	strace $0x80000047;
	s8 =	smul.u32 $0x1900, s6  }
0xa: {  	[dreg:$0x11] =	wrdreg s4;
	s23 =	sshrl.u32 s7, $0x1;
	s9 =	smul.u32 $0x32000, s6  }
0xb: {  	s6 =	smul.u32 $0x190000, s6;
	s0 =	ssub.s32 s7, s23;
	s16 =	sadd.s32 s14, s26  }
0xc: {  	s14 =	simm.s32 $0x2A00;
	s24 =	sor.u32 $0x40, s8;
	s8 =	sshrl.u32 s8, $0x3  }
0xd: {  	s9 =	sadd.s32 s1, s9;
	s6 =	sshrl.u32 s6, $0x3;
	s18 =	sadd.s32 $0x1C0, s16  }
0xe: {  	s0 =	smax.u32 s0, $0x1;
	s21 =	sadd.s32 $0x180, s16;
	s22 =	sadd.s32 $0x140, s16  }
0xf: {  	s26 =	sadd.s32 $0x100, s16;
	s16 =	simm.s32 $0xA00;
	s10 =	sshrl.u32 s24, $0x3  }
0x10: {  	s12 =	sadd.s32 s4, s8;
	[dreg:$0x7] =	wrdreg s9;
	s7 =	sshll.u32 s24, $0x5  }
0x11: {  	s6 =	sadd.s32 s1, s6;
	[dreg:$0xc] =	wrdreg s0;
	s19 =	sshrl.u32 s18, $0x3  }
0x12: {  	s24 =	sshrl.u32 s22, $0x3;
	[dreg:$0x10] =	wrdreg s26;
	s18 =	simm.s32 $0x9  }
0x13: {  	s22 =	simm.s32 $0x80;
	s25 =	sadd.s32 s4, s10;
	[dreg:$0x4] =	wrdreg s12  }
0x14: {  	s26 =	simm.s32 $0x4200;
	s13 =	sadd.s32 $0x10, s12;
	[dreg:$0x5] =	wrdreg s25  }
0x15: {  	s8 =	simm.s32 $0x7;
	s15 =	sadd.s32 $0x18, s12;
	[dreg:$0x6] =	wrdreg s13  }
0x16: {  	s9 =	simm.s32 $0x8;
	s7 =	sadd.s32 s1, s7;
	[dreg:$0x8] =	wrdreg s15  }
0x17: {  	s17 =	sadd.s32 $0x31000, s6;
	s6 =	sadd.s32 $0x31800, s6;
	[dreg:$0x9] =	wrdreg s7  }
0x18: {  	s0 =	sadd.s32 s19, s4;
	s1 =	sadd.s32 s20, s1;
	[dreg:$0xa] =	wrdreg s17  }
0x19: {  	s19 =	simm.s32 $0x200;
	s12 =	simm.s32 $0x1A00;
	[dreg:$0xb] =	wrdreg s6  }
0x1a: {  	s20 =	simm.s32 $0x3A00;
	s10 =	simm.s32 $0x8200;
	[dreg:$0xd] =	wrdreg s0  }
0x1b: {  	s0 =	sshrl.u32 s21, $0x3;
	s23 =	sadd.s32 s5, s1;
	s25 =	sadd.s32 s24, s4  }
0x1c: {  	s13 =	simm.s32 $0x2200;
	s15 =	simm.s32 $0x3200;
	s24 =	simm.s32 $0x5A00  }
0x1d: {  	s17 =	simm.s32 $0x1;
	s21 =	simm.s32 $0xC200;
	s1 =	simm.s32 $0x3  }
0x1e: {  	s6 =	simm.s32 $0x6;
	s7 =	simm.s32 $0x4;
	[dreg:$0x3] =	wrdreg s23  }
0x1f: {  	v2 =	vlaneseq.u32;
	s5 =	simm.s32 $0x0;
	s0 =	sadd.s32 s0, s4;
	[dreg:$0xf] =	wrdreg s25  }
0x20: {  	vm0 =	vmmov $0xffff;
	v1 =	vshrl.u32 v2, $0x3;
	s23 =	simm.s32 $0x4A00;
	s4 =	simm.s32 $0x5200;
	[dreg:$0x12] =	wrdreg s5  }
0x21: {  	v0 =	vand.u32 $0x7, v2;
	v2 =	vor.u32 $0x8, v2;
	v1 =	vmul.u32 $0x8, v1;
	s25 =	simm.s32 $0x6200;
	[dreg:$0xe] =	wrdreg s0;
	s0 =	simm.s32 $0x5  }
.LBB2_1:
0x22: {  	s5 =	rddreg [dreg:$0x4]  }
0x23: {  	[tilespmem:s2], [sflag:$0x9] =	stream.linear.gather [hbm4b:s5+s2], $0x40, $0x38;
	[tilespmem:$0x10200] =	vst v63  }
0x24: {  	_ =	swait.ge [sflag:s18], $0x40  }
0x25: {  	[sflag:s18] =	ssyncset.done $0x0  }
0x26: {  	[sflag:s18] =	ssyncadd.s32 $0xFFFFFFC0  }
0x27: {  	v3 =	vld [tilespmem:$0x0];
	_ =	sdelay $0x4  }
0x28: {  	v4 =	vshll.u32 v3, $0x1  }
0x29: {  	v3 =	vand.u32 $0x7, v3;
	v4 =	vand.u32 $0xFFFFFFF0, v4  }
0x2a: {  	v3 =	vor.u32 v3, v4  }
0x2b: {  	v4 =	vperm.xlane v3, v0;
	_ =	sdelay $0x1  }
0x2c: {  	v3 =	vperm.xlane v3, v2;
	v4 =	vadd.s32 v1, v4;
	_ =	sdelay $0x1  }
0x2d: {  	v3 =	vadd.s32 v1, v3;
	_ =	sdelay $0x2  }
0x2e: {  	[tilespmem:s19], [sflag:$0x1] =	stream.indirect_vreg.gather [hbm4b:s3+s2], $0x80, v4, vm0, $0xb8;
	[tilespmem:$0x10200] =	vst v63  }
0x2f: {  	_ = 	snop  }
0x30: {  	[tilespmem:s16], [sflag:$0x1] =	stream.indirect_vreg.gather [hbm4b:s3+s2], $0x80, v3, vm0, $0xb8;
	[tilespmem:$0x10200] =	vst v63  }
0x31: {  	v3 =	vld [tilespmem:$0x10];
	_ =	sdelay $0x4  }
0x32: {  	v49 =	vshll.u32 v3, $0x1  }
0x33: {  	v3 =	vand.u32 $0x7, v3;
	v4 =	vand.u32 $0xFFFFFFF0, v49  }
0x34: {  	v3 =	vor.u32 v3, v4  }
0x35: {  	v4 =	vperm.xlane v3, v0;
	_ =	sdelay $0x1  }
0x36: {  	v3 =	vperm.xlane v3, v2;
	v4 =	vadd.s32 v1, v4;
	_ =	sdelay $0x1  }
0x37: {  	v3 =	vadd.s32 v1, v3;
	_ =	sdelay $0x2  }
0x38: {  	[tilespmem:s11], [sflag:$0x1] =	stream.indirect_vreg.gather [hbm4b:s3+s2], $0x80, v4, vm0, $0xb8;
	[tilespmem:$0x10200] =	vst v63  }
0x39: {  	_ = 	snop  }
0x3a: {  	[tilespmem:s12], [sflag:$0x1] =	stream.indirect_vreg.gather [hbm4b:s3+s2], $0x80, v3, vm0, $0xb8;
	[tilespmem:$0x10200] =	vst v63  }
0x3b: {  	v3 =	vld [tilespmem:$0x20];
	_ =	sdelay $0x4  }
0x3c: {  	v50 =	vshll.u32 v3, $0x1  }
0x3d: {  	v3 =	vand.u32 $0x7, v3;
	v4 =	vand.u32 $0xFFFFFFF0, v50  }
0x3e: {  	v3 =	vor.u32 v3, v4  }
0x3f: {  	v4 =	vperm.xlane v3, v0;
	_ =	sdelay $0x1  }
0x40: {  	v3 =	vperm.xlane v3, v2;
	v4 =	vadd.s32 v1, v4;
	_ =	sdelay $0x1  }
0x41: {  	v3 =	vadd.s32 v1, v3;
	_ =	sdelay $0x2  }
0x42: {  	[tilespmem:s13], [sflag:$0x1] =	stream.indirect_vreg.gather [hbm4b:s3+s2], $0x80, v4, vm0, $0xb8;
	[tilespmem:$0x10200] =	vst v63  }
0x43: {  	_ = 	snop  }
0x44: {  	[tilespmem:s14], [sflag:$0x1] =	stream.indirect_vreg.gather [hbm4b:s3+s2], $0x80, v3, vm0, $0xb8;
	[tilespmem:$0x10200] =	vst v63  }
0x45: {  	v3 =	vld [tilespmem:$0x30];
	_ =	sdelay $0x4  }
0x46: {  	v51 =	vshll.u32 v3, $0x1  }
0x47: {  	v3 =	vand.u32 $0x7, v3;
	v4 =	vand.u32 $0xFFFFFFF0, v51  }
0x48: {  	v3 =	vor.u32 v3, v4  }
0x49: {  	v4 =	vperm.xlane v3, v0;
	_ =	sdelay $0x1  }
0x4a: {  	v3 =	vperm.xlane v3, v2;
	v4 =	vadd.s32 v1, v4;
	_ =	sdelay $0x1  }
0x4b: {  	v3 =	vadd.s32 v1, v3;
	_ =	sdelay $0x2  }
0x4c: {  	[tilespmem:s15], [sflag:$0x1] =	stream.indirect_vreg.gather [hbm4b:s3+s2], $0x80, v4, vm0, $0xb8;
	[tilespmem:$0x10200] =	vst v63  }
0x4d: {  	_ = 	snop  }
0x4e: {  	[tilespmem:s20], [sflag:$0x1] =	stream.indirect_vreg.gather [hbm4b:s3+s2], $0x80, v3, vm0, $0xb8;
	[tilespmem:$0x10200] =	vst v63  }
0x4f: {  	s13 =	rddreg [dreg:$0x5]  }
0x50: {  	[tilespmem:s22], [sflag:$0x9] =	stream.linear.gather [hbm4b:s13+s2], $0x40, $0x38;
	[tilespmem:$0x10200] =	vst v63  }
0x51: {  	_ =	swait.ge [sflag:s18], $0x40  }
0x52: {  	[sflag:s18] =	ssyncset.done $0x0  }
0x53: {  	[sflag:s18] =	ssyncadd.s32 $0xFFFFFFC0  }
0x54: {  	v3 =	vld [tilespmem:$0x80];
	_ =	sdelay $0x4  }
0x55: {  	v52 =	vshll.u32 v3, $0x1  }
0x56: {  	v3 =	vand.u32 $0x7, v3;
	v4 =	vand.u32 $0xFFFFFFF0, v52  }
0x57: {  	v3 =	vor.u32 v3, v4  }
0x58: {  	v4 =	vperm.xlane v3, v0;
	_ =	sdelay $0x1  }
0x59: {  	v3 =	vperm.xlane v3, v2;
	v4 =	vadd.s32 v1, v4;
	_ =	sdelay $0x1  }
0x5a: {  	v3 =	vadd.s32 v1, v3;
	_ =	sdelay $0x2  }
0x5b: {  	[tilespmem:s26], [sflag:$0x2] =	stream.indirect_vreg.gather [hbm4b:s3+s2], $0x80, v4, vm0, $0xb8;
	[tilespmem:$0x10200] =	vst v63  }
0x5c: {  	_ = 	snop  }
0x5d: {  	[tilespmem:s23], [sflag:$0x2] =	stream.indirect_vreg.gather [hbm4b:s3+s2], $0x80, v3, vm0, $0xb8;
	[tilespmem:$0x10200] =	vst v63  }
0x5e: {  	v3 =	vld [tilespmem:$0x90];
	_ =	sdelay $0x4  }
0x5f: {  	v53 =	vshll.u32 v3, $0x1  }
0x60: {  	v3 =	vand.u32 $0x7, v3;
	v4 =	vand.u32 $0xFFFFFFF0, v53  }
0x61: {  	v3 =	vor.u32 v3, v4  }
0x62: {  	v4 =	vperm.xlane v3, v0;
	_ =	sdelay $0x1  }
0x63: {  	v3 =	vperm.xlane v3, v2;
	v4 =	vadd.s32 v1, v4;
	_ =	sdelay $0x1  }
0x64: {  	v3 =	vadd.s32 v1, v3;
	_ =	sdelay $0x2  }
0x65: {  	[tilespmem:s4], [sflag:$0x2] =	stream.indirect_vreg.gather [hbm4b:s3+s2], $0x80, v4, vm0, $0xb8;
	[tilespmem:$0x10200] =	vst v63  }
0x66: {  	_ = 	snop  }
0x67: {  	[tilespmem:s24], [sflag:$0x2] =	stream.indirect_vreg.gather [hbm4b:s3+s2], $0x80, v3, vm0, $0xb8;
	[tilespmem:$0x10200] =	vst v63  }
0x68: {  	v3 =	vld [tilespmem:$0xA0];
	_ =	sdelay $0x4  }
0x69: {  	v54 =	vshll.u32 v3, $0x1  }
0x6a: {  	v3 =	vand.u32 $0x7, v3;
	v4 =	vand.u32 $0xFFFFFFF0, v54  }
0x6b: {  	v3 =	vor.u32 v3, v4  }
0x6c: {  	v4 =	vperm.xlane v3, v0;
	_ =	sdelay $0x1  }
0x6d: {  	v3 =	vperm.xlane v3, v2;
	v4 =	vadd.s32 v1, v4;
	_ =	sdelay $0x1  }
0x6e: {  	v3 =	vadd.s32 v1, v3;
	_ =	sdelay $0x2  }
0x6f: {  	[tilespmem:s25], [sflag:$0x2] =	stream.indirect_vreg.gather [hbm4b:s3+s2], $0x80, v4, vm0, $0xb8;
	[tilespmem:$0x10200] =	vst v63  }
0x70: {  	_ = 	snop  }
0x71: {  	[tilespmem:s28], [sflag:$0x2] =	stream.indirect_vreg.gather [hbm4b:s3+s2], $0x80, v3, vm0, $0xb8;
	[tilespmem:$0x10200] =	vst v63  }
0x72: {  	v3 =	vld [tilespmem:$0xB0];
	_ =	sdelay $0x4  }
0x73: {  	v55 =	vshll.u32 v3, $0x1  }
0x74: {  	v3 =	vand.u32 $0x7, v3;
	v4 =	vand.u32 $0xFFFFFFF0, v55  }
0x75: {  	v3 =	vor.u32 v3, v4  }
0x76: {  	v4 =	vperm.xlane v3, v0;
	_ =	sdelay $0x1  }
0x77: {  	v3 =	vperm.xlane v3, v2;
	v4 =	vadd.s32 v1, v4;
	_ =	sdelay $0x1  }
0x78: {  	v3 =	vadd.s32 v1, v3;
	_ =	sdelay $0x2  }
0x79: {  	[tilespmem:s29], [sflag:$0x2] =	stream.indirect_vreg.gather [hbm4b:s3+s2], $0x80, v4, vm0, $0xb8;
	[tilespmem:$0x10200] =	vst v63  }
0x7a: {  	_ = 	snop  }
0x7b: {  	[tilespmem:s30], [sflag:$0x2] =	stream.indirect_vreg.gather [hbm4b:s3+s2], $0x80, v3, vm0, $0xb8;
	[tilespmem:$0x10200] =	vst v63  }
0x7c: {  	s15 =	simm.s32 $0x100;
	s14 =	rddreg [dreg:$0x6]  }
0x7d: {  	[tilespmem:s15], [sflag:$0x9] =	stream.linear.gather [hbm4b:s14+s2], $0x40, $0x38;
	[tilespmem:$0x10200] =	vst v63  }
0x7e: {  	_ =	swait.ge [sflag:s18], $0x40  }
0x7f: {  	[sflag:s18] =	ssyncset.done $0x0  }
0x80: {  	[sflag:s18] =	ssyncadd.s32 $0xFFFFFFC0  }
0x81: {  	v3 =	vld [tilespmem:$0x100];
	_ =	sdelay $0x4  }
0x82: {  	v56 =	vshll.u32 v3, $0x1  }
0x83: {  	v3 =	vand.u32 $0x7, v3;
	v4 =	vand.u32 $0xFFFFFFF0, v56  }
0x84: {  	v3 =	vor.u32 v3, v4  }
0x85: {  	v4 =	vperm.xlane v3, v0;
	_ =	sdelay $0x1  }
0x86: {  	v3 =	vperm.xlane v3, v2;
	v4 =	vadd.s32 v1, v4;
	_ =	sdelay $0x1  }
0x87: {  	v3 =	vadd.s32 v1, v3;
	_ =	sdelay $0x2  }
0x88: {  	[tilespmem:s10], [sflag:$0x3] =	stream.indirect_vreg.gather [hbm4b:s3+s2], $0x80, v4, vm0, $0xb8;
	[tilespmem:$0x10200] =	vst v63  }
0x89: {  	s20 =	simm.s32 $0x8A00  }
0x8a: {  	[tilespmem:s20], [sflag:$0x3] =	stream.indirect_vreg.gather [hbm4b:s3+s2], $0x80, v3, vm0, $0xb8;
	[tilespmem:$0x10200] =	vst v63  }
0x8b: {  	v3 =	vld [tilespmem:$0x110];
	_ =	sdelay $0x4  }
0x8c: {  	v57 =	vshll.u32 v3, $0x1  }
0x8d: {  	v3 =	vand.u32 $0x7, v3;
	v4 =	vand.u32 $0xFFFFFFF0, v57  }
0x8e: {  	v3 =	vor.u32 v3, v4  }
0x8f: {  	v4 =	vperm.xlane v3, v0;
	_ =	sdelay $0x1  }
0x90: {  	v3 =	vperm.xlane v3, v2;
	v4 =	vadd.s32 v1, v4;
	_ =	sdelay $0x1  }
0x91: {  	v3 =	vadd.s32 v1, v3;
	_ =	sdelay $0x1  }
0x92: {  	s22 =	simm.s32 $0x9200  }
0x93: {  	[tilespmem:s22], [sflag:$0x3] =	stream.indirect_vreg.gather [hbm4b:s3+s2], $0x80, v4, vm0, $0xb8;
	[tilespmem:$0x10200] =	vst v63  }
0x94: {  	s23 =	simm.s32 $0x9A00  }
0x95: {  	[tilespmem:s23], [sflag:$0x3] =	stream.indirect_vreg.gather [hbm4b:s3+s2], $0x80, v3, vm0, $0xb8;
	[tilespmem:$0x10200] =	vst v63  }
0x96: {  	v3 =	vld [tilespmem:$0x120];
	_ =	sdelay $0x4  }
0x97: {  	v58 =	vshll.u32 v3, $0x1  }
0x98: {  	v3 =	vand.u32 $0x7, v3;
	v4 =	vand.u32 $0xFFFFFFF0, v58  }
0x99: {  	v3 =	vor.u32 v3, v4  }
0x9a: {  	v4 =	vperm.xlane v3, v0;
	_ =	sdelay $0x1  }
0x9b: {  	v3 =	vperm.xlane v3, v2;
	v4 =	vadd.s32 v1, v4;
	_ =	sdelay $0x1  }
0x9c: {  	v3 =	vadd.s32 v1, v3;
	_ =	sdelay $0x1  }
0x9d: {  	s24 =	simm.s32 $0xA200  }
0x9e: {  	[tilespmem:s24], [sflag:$0x3] =	stream.indirect_vreg.gather [hbm4b:s3+s2], $0x80, v4, vm0, $0xb8;
	[tilespmem:$0x10200] =	vst v63  }
0x9f: {  	s25 =	simm.s32 $0xAA00  }
0xa0: {  	[tilespmem:s25], [sflag:$0x3] =	stream.indirect_vreg.gather [hbm4b:s3+s2], $0x80, v3, vm0, $0xb8;
	[tilespmem:$0x10200] =	vst v63  }
0xa1: {  	v3 =	vld [tilespmem:$0x130];
	_ =	sdelay $0x4  }
0xa2: {  	v59 =	vshll.u32 v3, $0x1  }
0xa3: {  	v3 =	vand.u32 $0x7, v3;
	v4 =	vand.u32 $0xFFFFFFF0, v59  }
0xa4: {  	v3 =	vor.u32 v3, v4  }
0xa5: {  	v4 =	vperm.xlane v3, v0;
	_ =	sdelay $0x1  }
0xa6: {  	v3 =	vperm.xlane v3, v2;
	v4 =	vadd.s32 v1, v4;
	_ =	sdelay $0x1  }
0xa7: {  	v3 =	vadd.s32 v1, v3;
	_ =	sdelay $0x1  }
0xa8: {  	s5 =	simm.s32 $0xB200  }
0xa9: {  	[tilespmem:s5], [sflag:$0x3] =	stream.indirect_vreg.gather [hbm4b:s3+s2], $0x80, v4, vm0, $0xb8;
	[tilespmem:$0x10200] =	vst v63  }
0xaa: {  	s11 =	simm.s32 $0xBA00  }
0xab: {  	[tilespmem:s11], [sflag:$0x3] =	stream.indirect_vreg.gather [hbm4b:s3+s2], $0x80, v3, vm0, $0xb8;
	[tilespmem:$0x10200] =	vst v63  }
0xac: {  	_ =	swait.ge [sflag:s17], $0x4000  }
0xad: {  	[sflag:s17] =	ssyncset.done $0x0  }
0xae: {  	s12 =	rddreg [dreg:$0x7];
	[sflag:s17] =	ssyncadd.s32 $0xFFFFC000  }
0xaf: {  	[hbm4b:s12+s2] =	stream.linear.scatter [tilespmem:s19], [sflag:$0x5], $0x4000, $0x38;
	[tilespmem:$0x10200] =	vst v63  }
0xb0: {  	s14 =	simm.s32 $0x180;
	s13 =	rddreg [dreg:$0x8]  }
0xb1: {  	[tilespmem:s14], [sflag:$0x9] =	stream.linear.gather [hbm4b:s13+s2], $0x40, $0x38;
	[tilespmem:$0x10200] =	vst v63  }
0xb2: {  	_ =	swait.ge [sflag:s18], $0x40  }
0xb3: {  	[sflag:s18] =	ssyncset.done $0x0  }
0xb4: {  	[sflag:s18] =	ssyncadd.s32 $0xFFFFFFC0  }
0xb5: {  	v3 =	vld [tilespmem:$0x180];
	_ =	sdelay $0x4  }
0xb6: {  	v60 =	vshll.u32 v3, $0x1  }
0xb7: {  	v3 =	vand.u32 $0x7, v3;
	v4 =	vand.u32 $0xFFFFFFF0, v60  }
0xb8: {  	v3 =	vor.u32 v3, v4  }
0xb9: {  	v4 =	vperm.xlane v3, v0;
	_ =	sdelay $0x1  }
0xba: {  	v3 =	vperm.xlane v3, v2;
	v4 =	vadd.s32 v1, v4;
	_ =	sdelay $0x1  }
0xbb: {  	v3 =	vadd.s32 v1, v3;
	_ =	sdelay $0x2  }
0xbc: {  	[tilespmem:s21], [sflag:$0x4] =	stream.indirect_vreg.gather [hbm4b:s3+s2], $0x80, v4, vm0, $0xb8;
	[tilespmem:$0x10200] =	vst v63  }
0xbd: {  	s15 =	simm.s32 $0xCA00  }
0xbe: {  	[tilespmem:s15], [sflag:$0x4] =	stream.indirect_vreg.gather [hbm4b:s3+s2], $0x80, v3, vm0, $0xb8;
	[tilespmem:$0x10200] =	vst v63  }
0xbf: {  	v3 =	vld [tilespmem:$0x190];
	_ =	sdelay $0x4  }
0xc0: {  	v61 =	vshll.u32 v3, $0x1  }
0xc1: {  	v3 =	vand.u32 $0x7, v3;
	v4 =	vand.u32 $0xFFFFFFF0, v61  }
0xc2: {  	v3 =	vor.u32 v3, v4  }
0xc3: {  	v4 =	vperm.xlane v3, v0;
	_ =	sdelay $0x1  }
0xc4: {  	v3 =	vperm.xlane v3, v2;
	v4 =	vadd.s32 v1, v4;
	_ =	sdelay $0x1  }
0xc5: {  	v3 =	vadd.s32 v1, v3;
	_ =	sdelay $0x1  }
0xc6: {  	s19 =	simm.s32 $0xD200  }
0xc7: {  	[tilespmem:s19], [sflag:$0x4] =	stream.indirect_vreg.gather [hbm4b:s3+s2], $0x80, v4, vm0, $0xb8;
	[tilespmem:$0x10200] =	vst v63  }
0xc8: {  	s20 =	simm.s32 $0xDA00  }
0xc9: {  	[tilespmem:s20], [sflag:$0x4] =	stream.indirect_vreg.gather [hbm4b:s3+s2], $0x80, v3, vm0, $0xb8;
	[tilespmem:$0x10200] =	vst v63  }
0xca: {  	v3 =	vld [tilespmem:$0x1A0];
	_ =	sdelay $0x4  }
0xcb: {  	v62 =	vshll.u32 v3, $0x1  }
0xcc: {  	v3 =	vand.u32 $0x7, v3;
	v4 =	vand.u32 $0xFFFFFFF0, v62  }
0xcd: {  	v3 =	vor.u32 v3, v4  }
0xce: {  	v4 =	vperm.xlane v3, v0;
	_ =	sdelay $0x1  }
0xcf: {  	v3 =	vperm.xlane v3, v2;
	v4 =	vadd.s32 v1, v4;
	_ =	sdelay $0x1  }
0xd0: {  	v3 =	vadd.s32 v1, v3;
	_ =	sdelay $0x1  }
0xd1: {  	s22 =	simm.s32 $0xE200  }
0xd2: {  	[tilespmem:s22], [sflag:$0x4] =	stream.indirect_vreg.gather [hbm4b:s3+s2], $0x80, v4, vm0, $0xb8;
	[tilespmem:$0x10200] =	vst v63  }
0xd3: {  	s23 =	simm.s32 $0xEA00  }
0xd4: {  	[tilespmem:s23], [sflag:$0x4] =	stream.indirect_vreg.gather [hbm4b:s3+s2], $0x80, v3, vm0, $0xb8;
	[tilespmem:$0x10200] =	vst v63  }
0xd5: {  	v3 =	vld [tilespmem:$0x1B0];
	_ =	sdelay $0x4  }
0xd6: {  	v63 =	vshll.u32 v3, $0x1  }
0xd7: {  	v3 =	vand.u32 $0x7, v3;
	v4 =	vand.u32 $0xFFFFFFF0, v63  }
0xd8: {  	v3 =	vor.u32 v3, v4  }
0xd9: {  	v4 =	vperm.xlane v3, v0;
	_ =	sdelay $0x1  }
0xda: {  	v3 =	vperm.xlane v3, v2;
	v4 =	vadd.s32 v1, v4;
	_ =	sdelay $0x1  }
0xdb: {  	v3 =	vadd.s32 v1, v3;
	_ =	sdelay $0x1  }
0xdc: {  	s24 =	simm.s32 $0xF200  }
0xdd: {  	[tilespmem:s24], [sflag:$0x4] =	stream.indirect_vreg.gather [hbm4b:s3+s2], $0x80, v4, vm0, $0xb8;
	[tilespmem:$0x10200] =	vst v63  }
0xde: {  	s4 =	simm.s32 $0xFA00  }
0xdf: {  	[tilespmem:s4], [sflag:$0x4] =	stream.indirect_vreg.gather [hbm4b:s3+s2], $0x80, v3, vm0, $0xb8;
	[tilespmem:$0x10200] =	vst v63  }
0xe0: {  	_ =	swait.ge [sflag:s31], $0x4000  }
0xe1: {  	s28 =	simm.s32 $0x4200;
	s25 =	rddreg [dreg:$0x9]  }
0xe2: {  	s29 =	simm.s32 $0x6200;
	s30 =	simm.s32 $0x7200;
	s11 =	rddreg [dreg:$0x10]  }
0xe3: {  	s15 =	simm.s32 $0x0;
	s20 =	simm.s32 $0x5A00;
	s12 =	rddreg [dreg:$0xf]  }
0xe4: {  	s22 =	simm.s32 $0x6A00;
	[sflag:s31] =	ssyncset.done $0x0;
	s13 =	rddreg [dreg:$0xe]  }
0xe5: {  	s23 =	simm.s32 $0x7A00;
	s14 =	rddreg [dreg:$0xd];
	[sflag:s31] =	ssyncadd.s32 $0xFFFFC000  }
0xe6: {  	[hbm4b:s25+s2] =	stream.linear.scatter [tilespmem:s26], [sflag:$0x6], $0x4000, $0x38;
	[tilespmem:$0x10200] =	vst v63  }
0xe7: {  	s19 =	rddreg [dreg:$0x11];
	s25 =	simm.s32 $0x3200;
	s26 =	simm.s32 $0x200  }
.LBB2_2:
0xe8: {  	_ =	swait.ge [sflag:s0], $0x4000  }
0xe9: {  	s5 =	sshrl.u32 s11, $0x3;
	[sflag:s0] =	ssyncset.done $0x0  }
0xea: {  	s5 =	sadd.s32 s19, s5;
	[sflag:s0] =	ssyncadd.s32 $0xFFFFC000  }
0xeb: {  	[tilespmem:s2], [sflag:$0x9] =	stream.linear.gather [hbm4b:s5+s2], $0x40, $0x38;
	[tilespmem:$0x10200] =	vst v63  }
0xec: {  	_ =	swait.ge [sflag:s18], $0x40  }
0xed: {  	[sflag:s18] =	ssyncset.done $0x0  }
0xee: {  	[sflag:s18] =	ssyncadd.s32 $0xFFFFFFC0  }
0xef: {  	v3 =	vld [tilespmem:$0x0];
	_ =	sdelay $0x4  }
0xf0: {  	v4 =	vshll.u32 v3, $0x1  }
0xf1: {  	v3 =	vand.u32 $0x7, v3;
	v4 =	vand.u32 $0xFFFFFFF0, v4  }
0xf2: {  	v3 =	vor.u32 v3, v4  }
0xf3: {  	v4 =	vperm.xlane v3, v0;
	_ =	sdelay $0x1  }
0xf4: {  	v3 =	vperm.xlane v3, v2;
	v4 =	vadd.s32 v1, v4;
	_ =	sdelay $0x1  }
0xf5: {  	v3 =	vadd.s32 v1, v3;
	_ =	sdelay $0x2  }
0xf6: {  	[tilespmem:s26], [sflag:$0x1] =	stream.indirect_vreg.gather [hbm4b:s3+s2], $0x80, v4, vm0, $0xb8;
	[tilespmem:$0x10200] =	vst v63  }
0xf7: {  	_ = 	snop  }
0xf8: {  	[tilespmem:s16], [sflag:$0x1] =	stream.indirect_vreg.gather [hbm4b:s3+s2], $0x80, v3, vm0, $0xb8;
	[tilespmem:$0x10200] =	vst v63  }
0xf9: {  	v3 =	vld [tilespmem:$0x10];
	_ =	sdelay $0x4  }
0xfa: {  	v49 =	vshll.u32 v3, $0x1  }
0xfb: {  	v3 =	vand.u32 $0x7, v3;
	v4 =	vand.u32 $0xFFFFFFF0, v49  }
0xfc: {  	v3 =	vor.u32 v3, v4  }
0xfd: {  	v4 =	vperm.xlane v3, v0;
	_ =	sdelay $0x1  }
0xfe: {  	v3 =	vperm.xlane v3, v2;
	v4 =	vadd.s32 v1, v4;
	_ =	sdelay $0x1  }
0xff: {  	v3 =	vadd.s32 v1, v3;
	_ =	sdelay $0x1  }
0x100: {  	s24 =	simm.s32 $0x1200  }
0x101: {  	[tilespmem:s24], [sflag:$0x1] =	stream.indirect_vreg.gather [hbm4b:s3+s2], $0x80, v4, vm0, $0xb8;
	[tilespmem:$0x10200] =	vst v63  }
0x102: {  	s16 =	simm.s32 $0x1A00  }
0x103: {  	[tilespmem:s16], [sflag:$0x1] =	stream.indirect_vreg.gather [hbm4b:s3+s2], $0x80, v3, vm0, $0xb8;
	[tilespmem:$0x10200] =	vst v63  }
0x104: {  	v3 =	vld [tilespmem:$0x20];
	_ =	sdelay $0x4  }
0x105: {  	v50 =	vshll.u32 v3, $0x1  }
0x106: {  	v3 =	vand.u32 $0x7, v3;
	v4 =	vand.u32 $0xFFFFFFF0, v50  }
0x107: {  	v3 =	vor.u32 v3, v4  }
0x108: {  	v4 =	vperm.xlane v3, v0;
	_ =	sdelay $0x1  }
0x109: {  	v3 =	vperm.xlane v3, v2;
	v4 =	vadd.s32 v1, v4;
	_ =	sdelay $0x1  }
0x10a: {  	v3 =	vadd.s32 v1, v3;
	_ =	sdelay $0x1  }
0x10b: {  	s24 =	simm.s32 $0x2200  }
0x10c: {  	[tilespmem:s24], [sflag:$0x1] =	stream.indirect_vreg.gather [hbm4b:s3+s2], $0x80, v4, vm0, $0xb8;
	[tilespmem:$0x10200] =	vst v63  }
0x10d: {  	s16 =	simm.s32 $0x2A00  }
0x10e: {  	[tilespmem:s16], [sflag:$0x1] =	stream.indirect_vreg.gather [hbm4b:s3+s2], $0x80, v3, vm0, $0xb8;
	[tilespmem:$0x10200] =	vst v63  }
0x10f: {  	v3 =	vld [tilespmem:$0x30];
	_ =	sdelay $0x4  }
0x110: {  	v51 =	vshll.u32 v3, $0x1  }
0x111: {  	v3 =	vand.u32 $0x7, v3;
	v4 =	vand.u32 $0xFFFFFFF0, v51  }
0x112: {  	v3 =	vor.u32 v3, v4  }
0x113: {  	v4 =	vperm.xlane v3, v0;
	_ =	sdelay $0x1  }
0x114: {  	v3 =	vperm.xlane v3, v2;
	v4 =	vadd.s32 v1, v4;
	_ =	sdelay $0x1  }
0x115: {  	v3 =	vadd.s32 v1, v3;
	_ =	sdelay $0x2  }
0x116: {  	[tilespmem:s25], [sflag:$0x1] =	stream.indirect_vreg.gather [hbm4b:s3+s2], $0x80, v4, vm0, $0xb8;
	[tilespmem:$0x10200] =	vst v63  }
0x117: {  	s24 =	simm.s32 $0x3A00  }
0x118: {  	[tilespmem:s24], [sflag:$0x1] =	stream.indirect_vreg.gather [hbm4b:s3+s2], $0x80, v3, vm0, $0xb8;
	[tilespmem:$0x10200] =	vst v63  }
0x119: {  	_ =	swait.ge [sflag:s1], $0x4000  }
0x11a: {  	s16 =	rddreg [dreg:$0x3]  }
0x11b: {  	[sflag:s1] =	ssyncset.done $0x0;
	s5 =	sadd.s32 s15, s16  }
0x11c: {  	[sflag:s1] =	ssyncadd.s32 $0xFFFFC000;
	s24 =	sadd.s32 $0x1000, s5  }
0x11d: {  	[hbm4b:s24+s2] =	stream.linear.scatter [tilespmem:s10], [sflag:$0x7], $0x4000, $0x38;
	[tilespmem:$0x10200] =	vst v63  }
0x11e: {  	_ =	swait.ge [sflag:s6], $0x4000  }
0x11f: {  	[sflag:s6] =	ssyncset.done $0x0  }
0x120: {  	s24 =	simm.s32 $0x80;
	[sflag:s6] =	ssyncadd.s32 $0xFFFFC000  }
0x121: {  	[tilespmem:s24], [sflag:$0x9] =	stream.linear.gather [hbm4b:s12+s2], $0x40, $0x38;
	[tilespmem:$0x10200] =	vst v63  }
0x122: {  	_ =	swait.ge [sflag:s18], $0x40  }
0x123: {  	[sflag:s18] =	ssyncset.done $0x0  }
0x124: {  	[sflag:s18] =	ssyncadd.s32 $0xFFFFFFC0  }
0x125: {  	v3 =	vld [tilespmem:$0x80];
	_ =	sdelay $0x4  }
0x126: {  	v52 =	vshll.u32 v3, $0x1  }
0x127: {  	v3 =	vand.u32 $0x7, v3;
	v4 =	vand.u32 $0xFFFFFFF0, v52  }
0x128: {  	v3 =	vor.u32 v3, v4  }
0x129: {  	v4 =	vperm.xlane v3, v0;
	_ =	sdelay $0x1  }
0x12a: {  	v3 =	vperm.xlane v3, v2;
	v4 =	vadd.s32 v1, v4;
	_ =	sdelay $0x1  }
0x12b: {  	v3 =	vadd.s32 v1, v3;
	_ =	sdelay $0x2  }
0x12c: {  	[tilespmem:s28], [sflag:$0x2] =	stream.indirect_vreg.gather [hbm4b:s3+s2], $0x80, v4, vm0, $0xb8;
	[tilespmem:$0x10200] =	vst v63  }
0x12d: {  	s24 =	simm.s32 $0x4A00  }
0x12e: {  	[tilespmem:s24], [sflag:$0x2] =	stream.indirect_vreg.gather [hbm4b:s3+s2], $0x80, v3, vm0, $0xb8;
	[tilespmem:$0x10200] =	vst v63  }
0x12f: {  	v3 =	vld [tilespmem:$0x90];
	_ =	sdelay $0x4  }
0x130: {  	v53 =	vshll.u32 v3, $0x1  }
0x131: {  	v3 =	vand.u32 $0x7, v3;
	v4 =	vand.u32 $0xFFFFFFF0, v53  }
0x132: {  	v3 =	vor.u32 v3, v4  }
0x133: {  	v4 =	vperm.xlane v3, v0;
	_ =	sdelay $0x1  }
0x134: {  	v3 =	vperm.xlane v3, v2;
	v4 =	vadd.s32 v1, v4;
	_ =	sdelay $0x1  }
0x135: {  	v3 =	vadd.s32 v1, v3;
	_ =	sdelay $0x1  }
0x136: {  	s24 =	simm.s32 $0x5200  }
0x137: {  	[tilespmem:s24], [sflag:$0x2] =	stream.indirect_vreg.gather [hbm4b:s3+s2], $0x80, v4, vm0, $0xb8;
	[tilespmem:$0x10200] =	vst v63  }
0x138: {  	_ = 	snop  }
0x139: {  	[tilespmem:s20], [sflag:$0x2] =	stream.indirect_vreg.gather [hbm4b:s3+s2], $0x80, v3, vm0, $0xb8;
	[tilespmem:$0x10200] =	vst v63  }
0x13a: {  	v3 =	vld [tilespmem:$0xA0];
	_ =	sdelay $0x4  }
0x13b: {  	v54 =	vshll.u32 v3, $0x1  }
0x13c: {  	v3 =	vand.u32 $0x7, v3;
	v4 =	vand.u32 $0xFFFFFFF0, v54  }
0x13d: {  	v3 =	vor.u32 v3, v4  }
0x13e: {  	v4 =	vperm.xlane v3, v0;
	_ =	sdelay $0x1  }
0x13f: {  	v3 =	vperm.xlane v3, v2;
	v4 =	vadd.s32 v1, v4;
	_ =	sdelay $0x1  }
0x140: {  	v3 =	vadd.s32 v1, v3;
	_ =	sdelay $0x2  }
0x141: {  	[tilespmem:s29], [sflag:$0x2] =	stream.indirect_vreg.gather [hbm4b:s3+s2], $0x80, v4, vm0, $0xb8;
	[tilespmem:$0x10200] =	vst v63  }
0x142: {  	_ = 	snop  }
0x143: {  	[tilespmem:s22], [sflag:$0x2] =	stream.indirect_vreg.gather [hbm4b:s3+s2], $0x80, v3, vm0, $0xb8;
	[tilespmem:$0x10200] =	vst v63  }
0x144: {  	v3 =	vld [tilespmem:$0xB0];
	_ =	sdelay $0x4  }
0x145: {  	v55 =	vshll.u32 v3, $0x1  }
0x146: {  	v3 =	vand.u32 $0x7, v3;
	v4 =	vand.u32 $0xFFFFFFF0, v55  }
0x147: {  	v3 =	vor.u32 v3, v4  }
0x148: {  	v4 =	vperm.xlane v3, v0;
	_ =	sdelay $0x1  }
0x149: {  	v3 =	vperm.xlane v3, v2;
	v4 =	vadd.s32 v1, v4;
	_ =	sdelay $0x1  }
0x14a: {  	v3 =	vadd.s32 v1, v3;
	_ =	sdelay $0x2  }
0x14b: {  	[tilespmem:s30], [sflag:$0x2] =	stream.indirect_vreg.gather [hbm4b:s3+s2], $0x80, v4, vm0, $0xb8;
	[tilespmem:$0x10200] =	vst v63  }
0x14c: {  	_ = 	snop  }
0x14d: {  	[tilespmem:s23], [sflag:$0x2] =	stream.indirect_vreg.gather [hbm4b:s3+s2], $0x80, v3, vm0, $0xb8;
	[tilespmem:$0x10200] =	vst v63  }
0x14e: {  	_ =	swait.ge [sflag:s7], $0x4000  }
0x14f: {  	[sflag:s7] =	ssyncset.done $0x0  }
0x150: {  	s24 =	sadd.s32 $0x1800, s5;
	[sflag:s7] =	ssyncadd.s32 $0xFFFFC000  }
0x151: {  	[hbm4b:s24+s2] =	stream.linear.scatter [tilespmem:s21], [sflag:$0x8], $0x4000, $0x38;
	[tilespmem:$0x10200] =	vst v63  }
0x152: {  	_ =	swait.ge [sflag:s8], $0x4000  }
0x153: {  	[sflag:s8] =	ssyncset.done $0x0  }
0x154: {  	s24 =	simm.s32 $0x100;
	[sflag:s8] =	ssyncadd.s32 $0xFFFFC000  }
0x155: {  	[tilespmem:s24], [sflag:$0x9] =	stream.linear.gather [hbm4b:s13+s2], $0x40, $0x38;
	[tilespmem:$0x10200] =	vst v63  }
0x156: {  	_ =	swait.ge [sflag:s18], $0x40  }
0x157: {  	[sflag:s18] =	ssyncset.done $0x0  }
0x158: {  	[sflag:s18] =	ssyncadd.s32 $0xFFFFFFC0  }
0x159: {  	v3 =	vld [tilespmem:$0x100];
	_ =	sdelay $0x4  }
0x15a: {  	v56 =	vshll.u32 v3, $0x1  }
0x15b: {  	v3 =	vand.u32 $0x7, v3;
	v4 =	vand.u32 $0xFFFFFFF0, v56  }
0x15c: {  	v3 =	vor.u32 v3, v4  }
0x15d: {  	v4 =	vperm.xlane v3, v0;
	_ =	sdelay $0x1  }
0x15e: {  	v3 =	vperm.xlane v3, v2;
	v4 =	vadd.s32 v1, v4;
	_ =	sdelay $0x1  }
0x15f: {  	v3 =	vadd.s32 v1, v3;
	_ =	sdelay $0x2  }
0x160: {  	[tilespmem:s10], [sflag:$0x3] =	stream.indirect_vreg.gather [hbm4b:s3+s2], $0x80, v4, vm0, $0xb8;
	[tilespmem:$0x10200] =	vst v63  }
0x161: {  	s24 =	simm.s32 $0x8A00  }
0x162: {  	[tilespmem:s24], [sflag:$0x3] =	stream.indirect_vreg.gather [hbm4b:s3+s2], $0x80, v3, vm0, $0xb8;
	[tilespmem:$0x10200] =	vst v63  }
0x163: {  	v3 =	vld [tilespmem:$0x110];
	_ =	sdelay $0x4  }
0x164: {  	v57 =	vshll.u32 v3, $0x1  }
0x165: {  	v3 =	vand.u32 $0x7, v3;
	v4 =	vand.u32 $0xFFFFFFF0, v57  }
0x166: {  	v3 =	vor.u32 v3, v4  }
0x167: {  	v4 =	vperm.xlane v3, v0;
	_ =	sdelay $0x1  }
0x168: {  	v3 =	vperm.xlane v3, v2;
	v4 =	vadd.s32 v1, v4;
	_ =	sdelay $0x1  }
0x169: {  	v3 =	vadd.s32 v1, v3;
	_ =	sdelay $0x1  }
0x16a: {  	s24 =	simm.s32 $0x9200  }
0x16b: {  	[tilespmem:s24], [sflag:$0x3] =	stream.indirect_vreg.gather [hbm4b:s3+s2], $0x80, v4, vm0, $0xb8;
	[tilespmem:$0x10200] =	vst v63  }
0x16c: {  	s24 =	simm.s32 $0x9A00  }
0x16d: {  	[tilespmem:s24], [sflag:$0x3] =	stream.indirect_vreg.gather [hbm4b:s3+s2], $0x80, v3, vm0, $0xb8;
	[tilespmem:$0x10200] =	vst v63  }
0x16e: {  	v3 =	vld [tilespmem:$0x120];
	_ =	sdelay $0x4  }
0x16f: {  	v58 =	vshll.u32 v3, $0x1  }
0x170: {  	v3 =	vand.u32 $0x7, v3;
	v4 =	vand.u32 $0xFFFFFFF0, v58  }
0x171: {  	v3 =	vor.u32 v3, v4  }
0x172: {  	v4 =	vperm.xlane v3, v0;
	_ =	sdelay $0x1  }
0x173: {  	v3 =	vperm.xlane v3, v2;
	v4 =	vadd.s32 v1, v4;
	_ =	sdelay $0x1  }
0x174: {  	v3 =	vadd.s32 v1, v3;
	_ =	sdelay $0x1  }
0x175: {  	s24 =	simm.s32 $0xA200  }
0x176: {  	[tilespmem:s24], [sflag:$0x3] =	stream.indirect_vreg.gather [hbm4b:s3+s2], $0x80, v4, vm0, $0xb8;
	[tilespmem:$0x10200] =	vst v63  }
0x177: {  	s24 =	simm.s32 $0xAA00  }
0x178: {  	[tilespmem:s24], [sflag:$0x3] =	stream.indirect_vreg.gather [hbm4b:s3+s2], $0x80, v3, vm0, $0xb8;
	[tilespmem:$0x10200] =	vst v63  }
0x179: {  	v3 =	vld [tilespmem:$0x130];
	_ =	sdelay $0x4  }
0x17a: {  	v59 =	vshll.u32 v3, $0x1  }
0x17b: {  	v3 =	vand.u32 $0x7, v3;
	v4 =	vand.u32 $0xFFFFFFF0, v59  }
0x17c: {  	v3 =	vor.u32 v3, v4  }
0x17d: {  	v4 =	vperm.xlane v3, v0;
	_ =	sdelay $0x1  }
0x17e: {  	v3 =	vperm.xlane v3, v2;
	v4 =	vadd.s32 v1, v4;
	_ =	sdelay $0x1  }
0x17f: {  	v3 =	vadd.s32 v1, v3;
	_ =	sdelay $0x1  }
0x180: {  	s24 =	simm.s32 $0xB200  }
0x181: {  	[tilespmem:s24], [sflag:$0x3] =	stream.indirect_vreg.gather [hbm4b:s3+s2], $0x80, v4, vm0, $0xb8;
	[tilespmem:$0x10200] =	vst v63  }
0x182: {  	s24 =	simm.s32 $0xBA00  }
0x183: {  	[tilespmem:s24], [sflag:$0x3] =	stream.indirect_vreg.gather [hbm4b:s3+s2], $0x80, v3, vm0, $0xb8;
	[tilespmem:$0x10200] =	vst v63  }
0x184: {  	_ =	swait.ge [sflag:s17], $0x4000  }
0x185: {  	[sflag:s17] =	ssyncset.done $0x0  }
0x186: {  	s24 =	sadd.s32 $0x2000, s5;
	[sflag:s17] =	ssyncadd.s32 $0xFFFFC000  }
0x187: {  	[hbm4b:s24+s2] =	stream.linear.scatter [tilespmem:s26], [sflag:$0x5], $0x4000, $0x38;
	[tilespmem:$0x10200] =	vst v63  }
0x188: {  	_ =	swait.ge [sflag:s9], $0x4000  }
0x189: {  	[sflag:s9] =	ssyncset.done $0x0  }
0x18a: {  	s24 =	simm.s32 $0x180;
	[sflag:s9] =	ssyncadd.s32 $0xFFFFC000  }
0x18b: {  	[tilespmem:s24], [sflag:$0x9] =	stream.linear.gather [hbm4b:s14+s2], $0x40, $0x38;
	[tilespmem:$0x10200] =	vst v63  }
0x18c: {  	_ =	swait.ge [sflag:s18], $0x40  }
0x18d: {  	[sflag:s18] =	ssyncset.done $0x0  }
0x18e: {  	[sflag:s18] =	ssyncadd.s32 $0xFFFFFFC0  }
0x18f: {  	v3 =	vld [tilespmem:$0x180];
	_ =	sdelay $0x4  }
0x190: {  	v60 =	vshll.u32 v3, $0x1  }
0x191: {  	v3 =	vand.u32 $0x7, v3;
	v4 =	vand.u32 $0xFFFFFFF0, v60  }
0x192: {  	v3 =	vor.u32 v3, v4  }
0x193: {  	v4 =	vperm.xlane v3, v0;
	_ =	sdelay $0x1  }
0x194: {  	v3 =	vperm.xlane v3, v2;
	v4 =	vadd.s32 v1, v4;
	_ =	sdelay $0x1  }
0x195: {  	v3 =	vadd.s32 v1, v3;
	_ =	sdelay $0x2  }
0x196: {  	[tilespmem:s21], [sflag:$0x4] =	stream.indirect_vreg.gather [hbm4b:s3+s2], $0x80, v4, vm0, $0xb8;
	[tilespmem:$0x10200] =	vst v63  }
0x197: {  	s24 =	simm.s32 $0xCA00  }
0x198: {  	[tilespmem:s24], [sflag:$0x4] =	stream.indirect_vreg.gather [hbm4b:s3+s2], $0x80, v3, vm0, $0xb8;
	[tilespmem:$0x10200] =	vst v63  }
0x199: {  	v3 =	vld [tilespmem:$0x190];
	_ =	sdelay $0x4  }
0x19a: {  	v61 =	vshll.u32 v3, $0x1  }
0x19b: {  	v3 =	vand.u32 $0x7, v3;
	v4 =	vand.u32 $0xFFFFFFF0, v61  }
0x19c: {  	v3 =	vor.u32 v3, v4  }
0x19d: {  	v4 =	vperm.xlane v3, v0;
	_ =	sdelay $0x1  }
0x19e: {  	v3 =	vperm.xlane v3, v2;
	v4 =	vadd.s32 v1, v4;
	_ =	sdelay $0x1  }
0x19f: {  	v3 =	vadd.s32 v1, v3;
	_ =	sdelay $0x1  }
0x1a0: {  	s24 =	simm.s32 $0xD200  }
0x1a1: {  	[tilespmem:s24], [sflag:$0x4] =	stream.indirect_vreg.gather [hbm4b:s3+s2], $0x80, v4, vm0, $0xb8;
	[tilespmem:$0x10200] =	vst v63  }
0x1a2: {  	s24 =	simm.s32 $0xDA00  }
0x1a3: {  	[tilespmem:s24], [sflag:$0x4] =	stream.indirect_vreg.gather [hbm4b:s3+s2], $0x80, v3, vm0, $0xb8;
	[tilespmem:$0x10200] =	vst v63  }
0x1a4: {  	v3 =	vld [tilespmem:$0x1A0];
	_ =	sdelay $0x4  }
0x1a5: {  	v62 =	vshll.u32 v3, $0x1  }
0x1a6: {  	v3 =	vand.u32 $0x7, v3;
	v4 =	vand.u32 $0xFFFFFFF0, v62  }
0x1a7: {  	v3 =	vor.u32 v3, v4  }
0x1a8: {  	v4 =	vperm.xlane v3, v0;
	_ =	sdelay $0x1  }
0x1a9: {  	v3 =	vperm.xlane v3, v2;
	v4 =	vadd.s32 v1, v4;
	_ =	sdelay $0x1  }
0x1aa: {  	v3 =	vadd.s32 v1, v3;
	_ =	sdelay $0x1  }
0x1ab: {  	s24 =	simm.s32 $0xE200  }
0x1ac: {  	[tilespmem:s24], [sflag:$0x4] =	stream.indirect_vreg.gather [hbm4b:s3+s2], $0x80, v4, vm0, $0xb8;
	[tilespmem:$0x10200] =	vst v63  }
0x1ad: {  	s24 =	simm.s32 $0xEA00  }
0x1ae: {  	[tilespmem:s24], [sflag:$0x4] =	stream.indirect_vreg.gather [hbm4b:s3+s2], $0x80, v3, vm0, $0xb8;
	[tilespmem:$0x10200] =	vst v63  }
0x1af: {  	v3 =	vld [tilespmem:$0x1B0];
	_ =	sdelay $0x4  }
0x1b0: {  	v63 =	vshll.u32 v3, $0x1  }
0x1b1: {  	v3 =	vand.u32 $0x7, v3;
	v4 =	vand.u32 $0xFFFFFFF0, v63  }
0x1b2: {  	v3 =	vor.u32 v3, v4  }
0x1b3: {  	v4 =	vperm.xlane v3, v0;
	_ =	sdelay $0x1  }
0x1b4: {  	v3 =	vperm.xlane v3, v2;
	v4 =	vadd.s32 v1, v4;
	_ =	sdelay $0x1  }
0x1b5: {  	v3 =	vadd.s32 v1, v3;
	_ =	sdelay $0x1  }
0x1b6: {  	s24 =	simm.s32 $0xF200  }
0x1b7: {  	[tilespmem:s24], [sflag:$0x4] =	stream.indirect_vreg.gather [hbm4b:s3+s2], $0x80, v4, vm0, $0xb8;
	[tilespmem:$0x10200] =	vst v63  }
0x1b8: {  	p0 =	sne.s32 s15, $0x2E000  }
0x1b9: {  	[tilespmem:s4], [sflag:$0x4] =	stream.indirect_vreg.gather [hbm4b:s3+s2], $0x80, v3, vm0, $0xb8;
	[tilespmem:$0x10200] =	vst v63  }
.Ltmp0:
0x1ba: {  	s11 =	sadd.s32 $0x100, s11;
	(pc) =	sbr.rel @p0 .LBB2_2-.Ltmp0, $4  }
0x1bb: {  	s16 =	simm.s32 $0xA00;
	s15 =	sadd.s32 $0x2000, s15;
	_ =	swait.ge [sflag:s31], $0x4000  }
0x1bc: {  	s12 =	sadd.s32 $0x20, s12;
	s13 =	sadd.s32 $0x20, s13;
	[sflag:s31] =	ssyncset.done $0x0  }
0x1bd: {  	s5 =	sadd.s32 $0x2800, s5;
	s14 =	sadd.s32 $0x20, s14;
	[sflag:s31] =	ssyncadd.s32 $0xFFFFC000  }
0x1be: {  	[hbm4b:s5+s2] =	stream.linear.scatter [tilespmem:s28], [sflag:$0x6], $0x4000, $0x38;
	[tilespmem:$0x10200] =	vst v63  }
0x1bf: {  	_ =	swait.ge [sflag:s0], $0x4000  }
0x1c0: {  	[sflag:s0] =	ssyncset.done $0x0  }
0x1c1: {  	[sflag:s0] =	ssyncadd.s32 $0xFFFFC000  }
0x1c2: {  	_ =	swait.ge [sflag:s1], $0x4000  }
0x1c3: {  	[sflag:s1] =	ssyncset.done $0x0  }
0x1c4: {  	s5 =	rddreg [dreg:$0xa];
	[sflag:s1] =	ssyncadd.s32 $0xFFFFC000  }
0x1c5: {  	[hbm4b:s5+s2] =	stream.linear.scatter [tilespmem:s10], [sflag:$0x7], $0x4000, $0x38;
	[tilespmem:$0x10200] =	vst v63  }
0x1c6: {  	_ =	swait.ge [sflag:s6], $0x4000  }
0x1c7: {  	[sflag:s6] =	ssyncset.done $0x0  }
0x1c8: {  	[sflag:s6] =	ssyncadd.s32 $0xFFFFC000  }
0x1c9: {  	_ =	swait.ge [sflag:s7], $0x4000  }
0x1ca: {  	[sflag:s7] =	ssyncset.done $0x0  }
0x1cb: {  	s25 =	rddreg [dreg:$0xb];
	[sflag:s7] =	ssyncadd.s32 $0xFFFFC000  }
0x1cc: {  	[hbm4b:s25+s2] =	stream.linear.scatter [tilespmem:s21], [sflag:$0x8], $0x4000, $0x38;
	[tilespmem:$0x10200] =	vst v63  }
0x1cd: {  	_ =	swait.ge [sflag:s8], $0x4000  }
0x1ce: {  	[sflag:s8] =	ssyncset.done $0x0  }
0x1cf: {  	[sflag:s8] =	ssyncadd.s32 $0xFFFFC000  }
0x1d0: {  	_ =	swait.ge [sflag:s9], $0x4000  }
0x1d1: {  	s11 =	simm.s32 $0x1200;
	s12 =	simm.s32 $0x1A00;
	s4 =	rddreg [dreg:$0x12]  }
0x1d2: {  	s13 =	simm.s32 $0x2200;
	s26 =	rddreg [dreg:$0xc];
	s4 =	sadd.s32 $0x1, s4  }
0x1d3: {  	s14 =	simm.s32 $0x2A00;
	s15 =	simm.s32 $0x3200;
	p0 =	sne.s32 s4, s26  }
.Ltmp1:
0x1d4: {  	s20 =	simm.s32 $0x3A00;
	s22 =	simm.s32 $0x80;
	(pc) =	sbr.rel @p0 .LBB2_1-.Ltmp1, $4  }
0x1d5: {  	s23 =	simm.s32 $0x4A00;
	s19 =	simm.s32 $0x200;
	s24 =	simm.s32 $0x5A00  }
0x1d6: {  	s28 =	simm.s32 $0x6A00;
	s29 =	simm.s32 $0x7200;
	[sflag:s9] =	ssyncset.done $0x0  }
0x1d7: {  	s30 =	simm.s32 $0x7A00;
	s25 =	simm.s32 $0x6200;
	[sflag:s9] =	ssyncadd.s32 $0xFFFFC000  }
0x1d8: {  	[dreg:$0x12] =	wrdreg s4;
	s4 =	simm.s32 $0x5200;
	s26 =	simm.s32 $0x4200  }
0x1d9: {  	_ =	sfence.sel $0x180000  }
0x1da: {  	[bflag:$0x0] =	sbarrier.arrive $0xFFFF  }
0x1db: {  	_ =	strace $0x90000047  }
0x1dc: {  	s0 =	stileid.u32;
	[bflag:$0x2] =	sbarrier.arrive $0xFFFF  }
0x1dd: {  	p0 =	sne.s32 s0, $0x0;
	s0 =	rddreg [dreg:$0x2]  }
0x1de: {  	s0 =	sadd.s32 @!p0 $0x100000, s0  }
0x1df: {  	[sflag:s0] =	ssyncadd.tile.s32 @!p0 $0x1;
	_ =	shalt  }
.Lfunc_end2:
_tile_overlayer_lowered:
.L_overlay_start_2:
0x1e0: {  	(tag) =	ssettag $0x2  }
0x1e1: {  	s0 =	rddreg [dreg:$0x0];
	s2 =	stileid.u32  }
0x1e2: {  	s1 =	rddreg [dreg:$0x1];
	p0 =	sne.s32 s2, $0x0  }
0x1e3: {  	s3 =	rddreg [dreg:$0x2];
	[bflag:$0x3] =	sbarrier.arrive $0xFFFF;
	s2 =	simm.s32 @!p0 $0x1C09  }
0x1e4: {  	[timem:s3], [sflag:s2] =	dma.local @!p0 [hbm:s0], s1  }
0x1e5: {  	s0 =	simm.s32 @!p0 $0x9  }
0x1e6: {  	_ =	swait.ge @!p0 [sflag:s0], s1  }
0x1e7: {  	s1 =	ssub.s32 @!p0 $0x0, s1;
	[sflag:s0] =	ssyncset.done @!p0 $0x0  }
0x1e8: {  	[sflag:s0] =	ssyncadd.s32 @!p0 s1  }
0x1e9: {  	[bflag:$0x3] =	sbarrier.arrive $0xFFFF  }
0x1ea: {  	_ =	shalt  }

</sc_bundles>
